<compile_context>
chip_gen: v7x
topology: tpu7x:2x2x1
jax: 0.10.2.dev20260603
libtpu: 0.0.44.dev20260713+nightly
codegen_flags: <defaults>
</compile_context>

<pallas_src>
import functools

import jax
import jax.numpy as jnp
from jax import lax
from jax.experimental import pallas as pl
from jax.experimental.pallas import tpu as pltpu
from jax.experimental.pallas import tpu_sc as plsc

_NC = 2
_NS = 16
_LANES = 16


def _edge_linear(ea, w1, b1, w2, b2):
    E, DE = ea.shape
    H = w1.shape[1]
    BE = 2000
    grid = (E // BE,)

    def body(ea_ref, w1_ref, b1_ref, w2_ref, b2_ref, o1_ref, o2_ref):
        a = ea_ref[...]
        o1_ref[...] = jnp.dot(a, w1_ref[...], preferred_element_type=jnp.float32) + b1_ref[...]
        o2_ref[...] = jnp.dot(a, w2_ref[...], preferred_element_type=jnp.float32) + b2_ref[...]

    return pl.pallas_call(
        body,
        grid=grid,
        in_specs=[
            pl.BlockSpec((BE, DE), lambda i: (i, 0)),
            pl.BlockSpec((DE, H), lambda i: (0, 0)),
            pl.BlockSpec((1, H), lambda i: (0, 0)),
            pl.BlockSpec((DE, H), lambda i: (0, 0)),
            pl.BlockSpec((1, H), lambda i: (0, 0)),
        ],
        out_specs=[
            pl.BlockSpec((BE, H), lambda i: (i, 0)),
            pl.BlockSpec((BE, H), lambda i: (i, 0)),
        ],
        out_shape=[jax.ShapeDtypeStruct((E, H), jnp.float32)] * 2,
    )(ea, w1, b1[None, :], w2, b2[None, :])


def _sc_message_aggr(x, e, src, dst, zrows):
    N, H = x.shape
    E = src.shape[0]
    C = 128
    NCH = E // C
    W = _NC * _NS
    ITERS = (NCH + W - 1) // W
    RPT = (N // _NS) // 8 * 8
    REM = N - RPT * _NS
    mesh = plsc.VectorSubcoreMesh(core_axis_name="c", subcore_axis_name="s")

    @functools.partial(
        pl.kernel,
        out_type=jax.ShapeDtypeStruct((_NC * N, H), jnp.float32),
        mesh=mesh,
        scratch_types=[
            pltpu.VMEM((C,), jnp.int32),
            pltpu.VMEM((C,), jnp.int32),
            pltpu.VMEM((C, H), jnp.float32),
            pltpu.VMEM((C, H), jnp.float32),
            pltpu.VMEM_SHARED((N, H), jnp.float32),
            pltpu.SemaphoreType.DMA,
        ],
    )
    def k(x_hbm, e_hbm, src_hbm, dst_hbm, z_hbm, out_hbm, srcv, dstv, xr, er, acc, sem):
        cid = lax.axis_index("c")
        sid = lax.axis_index("s")
        wid = sid * _NC + cid
        pltpu.sync_copy(z_hbm.at[pl.ds(0, RPT)], acc.at[pl.ds(sid * RPT, RPT)])
        if REM:
            @pl.when(sid == _NS - 1)
            def _():
                pltpu.sync_copy(z_hbm.at[pl.ds(0, REM)],
                                acc.at[pl.ds(_NS * RPT, REM)])
        plsc.subcore_barrier()

        def chunk(i, carry):
            ch = i * W + wid

            @pl.when(ch < NCH)
            def _():
                base = ch * C
                pltpu.sync_copy(src_hbm.at[pl.ds(base, C)], srcv)
                pltpu.sync_copy(dst_hbm.at[pl.ds(base, C)], dstv)
                pltpu.sync_copy(e_hbm.at[pl.ds(base, C)], er)
                pltpu.async_copy(x_hbm.at[srcv], xr, sem).wait()

                def row(r, c2):
                    for j in range(H // _LANES):
                        sl = pl.ds(j * _LANES, _LANES)
                        xr[r, sl] = jnp.maximum(xr[r, sl] + er[r, sl], 0.0)
                    return c2

                lax.fori_loop(0, C, row, 0)
                pltpu.sync_copy(xr, acc.at[dstv], add=True)

            return carry

        lax.fori_loop(0, ITERS, chunk, 0)
        plsc.subcore_barrier()
        pltpu.sync_copy(acc.at[pl.ds(sid * RPT, RPT)],
                        out_hbm.at[pl.ds(cid * N + sid * RPT, RPT)])
        if REM:
            @pl.when(sid == _NS - 1)
            def _():
                pltpu.sync_copy(acc.at[pl.ds(_NS * RPT, REM)],
                                out_hbm.at[pl.ds(cid * N + _NS * RPT, REM)])

    return k(x, e, src, dst, zrows)


def _node_mlp(x, agg, Wa, ba, Wb, bb):
    N, H = x.shape
    BN = 1000
    nb = N // BN

    def body(x_ref, a0_ref, a1_ref, wa_ref, ba_ref, wb_ref, bb_ref, o_ref):
        h = x_ref[...] + a0_ref[...] + a1_ref[...]
        h = jnp.maximum(jnp.dot(h, wa_ref[...], preferred_element_type=jnp.float32) + ba_ref[...], 0.0)
        h = jnp.dot(h, wb_ref[...], preferred_element_type=jnp.float32) + bb_ref[...]
        o_ref[...] = jnp.maximum(h, 0.0)

    return pl.pallas_call(
        body,
        grid=(nb,),
        in_specs=[
            pl.BlockSpec((BN, H), lambda i: (i, 0)),
            pl.BlockSpec((BN, H), lambda i: (i, 0)),
            pl.BlockSpec((BN, H), lambda i: (i + nb, 0)),
            pl.BlockSpec((H, H), lambda i: (0, 0)),
            pl.BlockSpec((1, H), lambda i: (0, 0)),
            pl.BlockSpec((H, H), lambda i: (0, 0)),
            pl.BlockSpec((1, H), lambda i: (0, 0)),
        ],
        out_specs=pl.BlockSpec((BN, H), lambda i: (i, 0)),
        out_shape=jax.ShapeDtypeStruct((N, H), jnp.float32),
    )(x, agg, agg, Wa, ba[None, :], Wb, bb[None, :])


def _pool_heads(h, batch2, fc_w, fc_b, hw, hb, G):
    N, H = h.shape
    S = fc_w.shape[1]
    BN = 1000
    nb = N // BN

    def body(h_ref, b_ref, fcw_ref, fcb_ref, hw_ref, hb_ref, o_ref, sums, counts):
        i = pl.program_id(0)

        @pl.when(i == 0)
        def _():
            sums[...] = jnp.zeros_like(sums)
            counts[...] = jnp.zeros_like(counts)

        oh = (b_ref[...] == lax.broadcasted_iota(jnp.int32, (1, G), 1)).astype(jnp.float32)
        hblk = h_ref[...]
        sums[...] += lax.dot_general(oh, hblk, (((0,), (0,)), ((), ())),
                                     preferred_element_type=jnp.float32)
        counts[...] += lax.dot_general(oh, jnp.ones((BN, 1), jnp.float32),
                                       (((0,), (0,)), ((), ())),
                                       preferred_element_type=jnp.float32)

        @pl.when(i == nb - 1)
        def _():
            pooled = sums[...] / jnp.maximum(counts[...], 1.0)
            sh = jnp.maximum(jnp.dot(pooled, fcw_ref[...], preferred_element_type=jnp.float32)
                             + fcb_ref[...], 0.0)
            o_ref[...] = jnp.dot(sh, hw_ref[...], preferred_element_type=jnp.float32) + hb_ref[...]

    return pl.pallas_call(
        body,
        grid=(nb,),
        in_specs=[
            pl.BlockSpec((BN, H), lambda i: (i, 0)),
            pl.BlockSpec((BN, 1), lambda i: (i, 0)),
            pl.BlockSpec((H, S), lambda i: (0, 0)),
            pl.BlockSpec((1, S), lambda i: (0, 0)),
            pl.BlockSpec((S, 128), lambda i: (0, 0)),
            pl.BlockSpec((1, 128), lambda i: (0, 0)),
        ],
        out_specs=pl.BlockSpec((G, 128), lambda i: (0, 0)),
        out_shape=jax.ShapeDtypeStruct((G, 128), jnp.float32),
        scratch_shapes=[
            pltpu.VMEM((G, H), jnp.float32),
            pltpu.VMEM((G, 1), jnp.float32),
        ],
    )(h, batch2, fc_w, fc_b[None, :], hw, hb)


def kernel(x, edge_index, edge_attr, batch,
           lin1_w, lin1_b, W1a, b1a, W1b, b1b,
           lin2_w, lin2_b, W2a, b2a, W2b, b2b,
           fc_w, fc_b, hS_w, hS_b, hP_w, hP_b, hN_w, hN_b):
    src = edge_index[0]
    dst = edge_index[1]
    N, D = x.shape
    H = W1a.shape[1]
    G = 64

    e1, e2 = _edge_linear(edge_attr, lin1_w, lin1_b, lin2_w, lin2_b)
    z = jnp.zeros(((N // _NS) // 8 * 8, H), jnp.float32)

    agg1 = _sc_message_aggr(x, e1, src, dst, z)
    h1 = _node_mlp(x, agg1, W1a, b1a, W1b, b1b)

    agg2 = _sc_message_aggr(h1, e2, src, dst, z)
    h2 = _node_mlp(h1, agg2, W2a, b2a, W2b, b2b)

    hw = jnp.pad(jnp.concatenate([hS_w, hP_w, hN_w], axis=1), ((0, 0), (0, 125)))
    hb = jnp.pad(jnp.concatenate([hS_b, hP_b, hN_b], axis=0), (0, 125))[None, :]
    out = _pool_heads(h2, batch[:, None], fc_w, fc_b, hw, hb, G)
    return out[:, 0], out[:, 1], out[:, 2]

# --- scband reference (transcript-rebuilt; emitter-appended) ---
"""Pipeline reference for scband-gnnplus-improved-57260503990724 (READ-ONLY COPY).

The authoritative reference and input builder live on the scoring server;
editing this copy changes nothing except your own understanding.
"""

import jax, jax.numpy as jnp
import numpy as np

N = 10000
E = 320000
D = 128   # node_in
DE = 16   # edge_in
H = 128   # hidden
S = 64    # shared_out
G = 64    # num graphs in batch


def setup_inputs(seed: int = 0) -> dict:
    key = jax.random.key(seed)
    ks = jax.random.split(key, 32)
    inp = {}
    inp["x"] = jax.random.normal(ks[0], (N, D), dtype=jnp.float32)
    inp["edge_index"] = jax.random.randint(ks[1], (2, E), 0, N, dtype=jnp.int32)
    inp["edge_attr"] = jax.random.normal(ks[2], (E, DE), dtype=jnp.float32)
    inp["batch"] = jnp.sort(jax.random.randint(ks[3], (N,), 0, G, dtype=jnp.int32))
    s = 0.05
    # conv1: GINEConv(nn1: D->H->H, edge lin: DE->D)
    inp["lin1_w"] = jax.random.normal(ks[4], (DE, D), dtype=jnp.float32) * s
    inp["lin1_b"] = jnp.zeros((D,), dtype=jnp.float32)
    inp["W1a"] = jax.random.normal(ks[5], (D, H), dtype=jnp.float32) * s
    inp["b1a"] = jnp.zeros((H,), dtype=jnp.float32)
    inp["W1b"] = jax.random.normal(ks[6], (H, H), dtype=jnp.float32) * s
    inp["b1b"] = jnp.zeros((H,), dtype=jnp.float32)
    # conv2: GINEConv(nn2: H->H->H, edge lin: DE->H)
    inp["lin2_w"] = jax.random.normal(ks[7], (DE, H), dtype=jnp.float32) * s
    inp["lin2_b"] = jnp.zeros((H,), dtype=jnp.float32)
    inp["W2a"] = jax.random.normal(ks[8], (H, H), dtype=jnp.float32) * s
    inp["b2a"] = jnp.zeros((H,), dtype=jnp.float32)
    inp["W2b"] = jax.random.normal(ks[9], (H, H), dtype=jnp.float32) * s
    inp["b2b"] = jnp.zeros((H,), dtype=jnp.float32)
    # heads
    inp["fc_w"] = jax.random.normal(ks[10], (H, S), dtype=jnp.float32) * s
    inp["fc_b"] = jnp.zeros((S,), dtype=jnp.float32)
    inp["hS_w"] = jax.random.normal(ks[11], (S, 1), dtype=jnp.float32) * s
    inp["hS_b"] = jnp.zeros((1,), dtype=jnp.float32)
    inp["hP_w"] = jax.random.normal(ks[12], (S, 1), dtype=jnp.float32) * s
    inp["hP_b"] = jnp.zeros((1,), dtype=jnp.float32)
    inp["hN_w"] = jax.random.normal(ks[13], (S, 1), dtype=jnp.float32) * s
    inp["hN_b"] = jnp.zeros((1,), dtype=jnp.float32)
    return inp


def _gine_conv(x, src, dst, edge_attr, lin_w, lin_b, Wa, ba, Wb, bb):
    # GINEConv with eps=0: out = nn(x + sum_j relu(x_j + lin(e_ji)))
    e = edge_attr @ lin_w + lin_b
    m = jax.nn.relu(x[src] + e)
    aggr = jax.ops.segment_sum(m, dst, num_segments=x.shape[0])
    h = x + aggr
    h = jnp.maximum(h @ Wa + ba, 0.0) @ Wb + bb
    return h


def reference(x, edge_index, edge_attr, batch,
              lin1_w, lin1_b, W1a, b1a, W1b, b1b,
              lin2_w, lin2_b, W2a, b2a, W2b, b2b,
              fc_w, fc_b, hS_w, hS_b, hP_w, hP_b, hN_w, hN_b):
    src = edge_index[0]
    dst = edge_index[1]
    h = jax.nn.relu(_gine_conv(x, src, dst, edge_attr, lin1_w, lin1_b, W1a, b1a, W1b, b1b))
    h = jax.nn.relu(_gine_conv(h, src, dst, edge_attr, lin2_w, lin2_b, W2a, b2a, W2b, b2b))
    # global mean pool
    sums = jax.ops.segment_sum(h, batch, num_segments=G)
    counts = jax.ops.segment_sum(jnp.ones((h.shape[0], 1), dtype=h.dtype), batch, num_segments=G)
    pooled = sums / jnp.maximum(counts, 1.0)
    shared = jax.nn.relu(pooled @ fc_w + fc_b)
    logS = (shared @ hS_w + hS_b)[:, 0]
    logP = (shared @ hP_w + hP_b)[:, 0]
    logNR = (shared @ hN_w + hN_b)[:, 0]
    return (logS, logP, logNR)

if __name__ == "__main__":
    import jax
    _d = setup_inputs()
    print(jax.jit(kernel)(*tuple(_d.values())))

</pallas_src>

<mosaic_0001>
#map = affine_map<(d0, d1) -> (0, 0)>
#map1 = affine_map<(d0, d1) -> (0)>
module attributes {stable_mosaic.version = 14 : i64} {
  func.func @k(%arg0: i32, %arg1: i32, %arg2: memref<10000x128xf32, #tpu.memory_space<hbm>>, %arg3: memref<320000x128xf32, #tpu.memory_space<hbm>>, %arg4: memref<320000xi32, #tpu.memory_space<hbm>>, %arg5: memref<320000xi32, #tpu.memory_space<hbm>>, %arg6: memref<624x128xf32, #tpu.memory_space<hbm>>, %arg7: memref<20000x128xf32, #tpu.memory_space<hbm>>, %arg8: memref<128xi32, #tpu.memory_space<vmem>>, %arg9: memref<128xi32, #tpu.memory_space<vmem>>, %arg10: memref<128x128xf32, #tpu.memory_space<vmem>>, %arg11: memref<128x128xf32, #tpu.memory_space<vmem>>, %arg12: memref<10000x128xf32, #tpu.memory_space<vmem_shared>>, %arg13: memref<!tpu.dma_semaphore, #tpu.memory_space<semaphore_mem>>) attributes {dimension_semantics = [#tpu.dimension_semantics<core_parallel>, #tpu.dimension_semantics<subcore_parallel>], iteration_bounds = array<i64: 2, 16>, scalar_prefetch = 0 : i64, scratch_operands = 6 : i64, tpu.core_type = #tpu.core_type<sc_vector_subcore>, window_params = [{transform_indices = #map}, {transform_indices = #map}, {transform_indices = #map1}, {transform_indices = #map1}, {transform_indices = #map}, {transform_indices = #map}]} {
    %mul3A = arith.constant 2 : i32
    %mul3A_0 = arith.muli %arg1, %mul3A : i32
    %add3A = arith.addi %mul3A_0, %arg0 : i32
    %mul3A_1 = arith.constant 624 : i32
    %mul3A_2 = arith.muli %arg1, %mul3A_1 : i32
    "tpu.region"() ({
      %run_scoped3A = tpu.sem_alloc : memref<!tpu.dma_semaphore, #tpu.memory_space<semaphore_mem>>
      %dma_start3A = arith.constant 0 : i32
      %dma_start3A_23 = tpu.memref_slice %arg12[%mul3A_2, %dma_start3A] : memref<10000x128xf32, #tpu.memory_space<vmem_shared>> -> memref<624x128xf32, #tpu.memory_space<vmem_shared>>
      %dma_start3A_24 = arith.constant 0 : i32
      %dma_start3A_25 = arith.constant 0 : i32
      %dma_start3A_26 = tpu.memref_slice %arg6[%dma_start3A_24, %dma_start3A_25] : memref<624x128xf32, #tpu.memory_space<hbm>> -> memref<624x128xf32, #tpu.memory_space<hbm>>
      tpu.enqueue_dma source(%dma_start3A_26 : memref<624x128xf32, #tpu.memory_space<hbm>>) target(%dma_start3A_23 : memref<624x128xf32, #tpu.memory_space<vmem_shared>>) target_semaphore(%run_scoped3A : memref<!tpu.dma_semaphore, #tpu.memory_space<semaphore_mem>>)
      %dma_wait3A = arith.constant 0 : i32
      %dma_wait3A_27 = tpu.memref_slice %arg12[%mul3A_2, %dma_wait3A] : memref<10000x128xf32, #tpu.memory_space<vmem_shared>> -> memref<624x128xf32, #tpu.memory_space<vmem_shared>>
      %dma_wait3A_28 = arith.constant 0 : i32
      %dma_wait3A_29 = arith.constant 0 : i32
      %dma_wait3A_30 = tpu.memref_slice %arg6[%dma_wait3A_28, %dma_wait3A_29] : memref<624x128xf32, #tpu.memory_space<hbm>> -> memref<624x128xf32, #tpu.memory_space<hbm>>
      tpu.wait_dma2 semaphore(%run_scoped3A : memref<!tpu.dma_semaphore, #tpu.memory_space<semaphore_mem>>) src(%dma_wait3A_30 : memref<624x128xf32, #tpu.memory_space<hbm>>) dst(%dma_wait3A_27 : memref<624x128xf32, #tpu.memory_space<vmem_shared>>)
      tpu.yield
    }) : () -> ()
    %eq3A = arith.constant 15 : i32
    %eq3A_3 = arith.cmpi eq, %arg1, %eq3A : i32
    %convert_element_type3A = arith.extui %eq3A_3 : i1 to i32
    %cond3A = arith.constant 0 : i32
    %cond3A_4 = arith.cmpi ne, %convert_element_type3A, %cond3A : i32
    scf.if %cond3A_4 {
      "tpu.region"() ({
        %run_scoped3A = tpu.sem_alloc : memref<!tpu.dma_semaphore, #tpu.memory_space<semaphore_mem>>
        %dma_start3A = arith.constant 9984 : i32
        %dma_start3A_23 = arith.constant 0 : i32
        %dma_start3A_24 = tpu.memref_slice %arg12[%dma_start3A, %dma_start3A_23] : memref<10000x128xf32, #tpu.memory_space<vmem_shared>> -> memref<16x128xf32, #tpu.memory_space<vmem_shared>>
        %dma_start3A_25 = arith.constant 0 : i32
        %dma_start3A_26 = arith.constant 0 : i32
        %dma_start3A_27 = tpu.memref_slice %arg6[%dma_start3A_25, %dma_start3A_26] : memref<624x128xf32, #tpu.memory_space<hbm>> -> memref<16x128xf32, #tpu.memory_space<hbm>>
        tpu.enqueue_dma source(%dma_start3A_27 : memref<16x128xf32, #tpu.memory_space<hbm>>) target(%dma_start3A_24 : memref<16x128xf32, #tpu.memory_space<vmem_shared>>) target_semaphore(%run_scoped3A : memref<!tpu.dma_semaphore, #tpu.memory_space<semaphore_mem>>)
        %dma_wait3A = arith.constant 9984 : i32
        %dma_wait3A_28 = arith.constant 0 : i32
        %dma_wait3A_29 = tpu.memref_slice %arg12[%dma_wait3A, %dma_wait3A_28] : memref<10000x128xf32, #tpu.memory_space<vmem_shared>> -> memref<16x128xf32, #tpu.memory_space<vmem_shared>>
        %dma_wait3A_30 = arith.constant 0 : i32
        %dma_wait3A_31 = arith.constant 0 : i32
        %dma_wait3A_32 = tpu.memref_slice %arg6[%dma_wait3A_30, %dma_wait3A_31] : memref<624x128xf32, #tpu.memory_space<hbm>> -> memref<16x128xf32, #tpu.memory_space<hbm>>
        tpu.wait_dma2 semaphore(%run_scoped3A : memref<!tpu.dma_semaphore, #tpu.memory_space<semaphore_mem>>) src(%dma_wait3A_32 : memref<16x128xf32, #tpu.memory_space<hbm>>) dst(%dma_wait3A_29 : memref<16x128xf32, #tpu.memory_space<vmem_shared>>)
        tpu.yield
      }) : () -> ()
    } else {
    }
    %barrier3A = arith.constant 0 : index
    tpu.barrier barrier_id(%barrier3A)
    %scan3A = arith.constant 0 : i32
    %scan3A_5 = arith.constant 0 : i32
    %scan3A_6 = arith.constant 79 : i32
    %scan3A_7 = arith.addi %scan3A_5, %scan3A_6 : i32
    %scan3A_8 = arith.constant 1 : i32
    scf.for %scan3A_23 = %scan3A_5 to %scan3A_7 step %scan3A_8  : i32 {
      %mul3A_24 = arith.constant 32 : i32
      %mul3A_25 = arith.muli %scan3A_23, %mul3A_24 : i32
      %add3A_26 = arith.addi %mul3A_25, %add3A : i32
      %lt3A = arith.constant 2500 : i32
      %lt3A_27 = arith.cmpi slt, %add3A_26, %lt3A : i32
      %convert_element_type3A_28 = arith.extui %lt3A_27 : i1 to i32
      %cond3A_29 = arith.constant 0 : i32
      %cond3A_30 = arith.cmpi ne, %convert_element_type3A_28, %cond3A_29 : i32
      scf.if %cond3A_30 {
        %mul3A_31 = arith.constant 128 : i32
        %mul3A_32 = arith.muli %add3A_26, %mul3A_31 : i32
        "tpu.region"() ({
          %run_scoped3A = tpu.sem_alloc : memref<!tpu.dma_semaphore, #tpu.memory_space<semaphore_mem>>
          %dma_start3A_43 = tpu.memref_slice %arg4[%mul3A_32] : memref<320000xi32, #tpu.memory_space<hbm>> -> memref<128xi32, #tpu.memory_space<hbm>>
          %dma_start3A_44 = tpu.memref_slice %arg4[%mul3A_32] : memref<320000xi32, #tpu.memory_space<hbm>> -> memref<128xi32, #tpu.memory_space<hbm>>
          tpu.enqueue_dma source(%dma_start3A_44 : memref<128xi32, #tpu.memory_space<hbm>>) target(%arg8 : memref<128xi32, #tpu.memory_space<vmem>>) target_semaphore(%run_scoped3A : memref<!tpu.dma_semaphore, #tpu.memory_space<semaphore_mem>>)
          %dma_wait3A_45 = tpu.memref_slice %arg4[%mul3A_32] : memref<320000xi32, #tpu.memory_space<hbm>> -> memref<128xi32, #tpu.memory_space<hbm>>
          %dma_wait3A_46 = tpu.memref_slice %arg4[%mul3A_32] : memref<320000xi32, #tpu.memory_space<hbm>> -> memref<128xi32, #tpu.memory_space<hbm>>
          tpu.wait_dma2 semaphore(%run_scoped3A : memref<!tpu.dma_semaphore, #tpu.memory_space<semaphore_mem>>) src(%dma_wait3A_46 : memref<128xi32, #tpu.memory_space<hbm>>) dst(%arg8 : memref<128xi32, #tpu.memory_space<vmem>>)
          tpu.yield
        }) : () -> ()
        "tpu.region"() ({
          %run_scoped3A = tpu.sem_alloc : memref<!tpu.dma_semaphore, #tpu.memory_space<semaphore_mem>>
          %dma_start3A_43 = tpu.memref_slice %arg5[%mul3A_32] : memref<320000xi32, #tpu.memory_space<hbm>> -> memref<128xi32, #tpu.memory_space<hbm>>
          %dma_start3A_44 = tpu.memref_slice %arg5[%mul3A_32] : memref<320000xi32, #tpu.memory_space<hbm>> -> memref<128xi32, #tpu.memory_space<hbm>>
          tpu.enqueue_dma source(%dma_start3A_44 : memref<128xi32, #tpu.memory_space<hbm>>) target(%arg9 : memref<128xi32, #tpu.memory_space<vmem>>) target_semaphore(%run_scoped3A : memref<!tpu.dma_semaphore, #tpu.memory_space<semaphore_mem>>)
          %dma_wait3A_45 = tpu.memref_slice %arg5[%mul3A_32] : memref<320000xi32, #tpu.memory_space<hbm>> -> memref<128xi32, #tpu.memory_space<hbm>>
          %dma_wait3A_46 = tpu.memref_slice %arg5[%mul3A_32] : memref<320000xi32, #tpu.memory_space<hbm>> -> memref<128xi32, #tpu.memory_space<hbm>>
          tpu.wait_dma2 semaphore(%run_scoped3A : memref<!tpu.dma_semaphore, #tpu.memory_space<semaphore_mem>>) src(%dma_wait3A_46 : memref<128xi32, #tpu.memory_space<hbm>>) dst(%arg9 : memref<128xi32, #tpu.memory_space<vmem>>)
          tpu.yield
        }) : () -> ()
        "tpu.region"() ({
          %run_scoped3A = tpu.sem_alloc : memref<!tpu.dma_semaphore, #tpu.memory_space<semaphore_mem>>
          %dma_start3A_43 = arith.constant 0 : i32
          %dma_start3A_44 = tpu.memref_slice %arg3[%mul3A_32, %dma_start3A_43] : memref<320000x128xf32, #tpu.memory_space<hbm>> -> memref<128x128xf32, #tpu.memory_space<hbm>>
          %dma_start3A_45 = arith.constant 0 : i32
          %dma_start3A_46 = tpu.memref_slice %arg3[%mul3A_32, %dma_start3A_45] : memref<320000x128xf32, #tpu.memory_space<hbm>> -> memref<128x128xf32, #tpu.memory_space<hbm>>
          tpu.enqueue_dma source(%dma_start3A_46 : memref<128x128xf32, #tpu.memory_space<hbm>>) target(%arg11 : memref<128x128xf32, #tpu.memory_space<vmem>>) target_semaphore(%run_scoped3A : memref<!tpu.dma_semaphore, #tpu.memory_space<semaphore_mem>>)
          %dma_wait3A_47 = arith.constant 0 : i32
          %dma_wait3A_48 = tpu.memref_slice %arg3[%mul3A_32, %dma_wait3A_47] : memref<320000x128xf32, #tpu.memory_space<hbm>> -> memref<128x128xf32, #tpu.memory_space<hbm>>
          %dma_wait3A_49 = arith.constant 0 : i32
          %dma_wait3A_50 = tpu.memref_slice %arg3[%mul3A_32, %dma_wait3A_49] : memref<320000x128xf32, #tpu.memory_space<hbm>> -> memref<128x128xf32, #tpu.memory_space<hbm>>
          tpu.wait_dma2 semaphore(%run_scoped3A : memref<!tpu.dma_semaphore, #tpu.memory_space<semaphore_mem>>) src(%dma_wait3A_50 : memref<128x128xf32, #tpu.memory_space<hbm>>) dst(%arg11 : memref<128x128xf32, #tpu.memory_space<vmem>>)
          tpu.yield
        }) : () -> ()
        %dma_start3A = arith.constant 0 : i32
        %dma_start3A_33 = arith.constant 0 : i32
        %dma_start3A_34 = tpu.memref_slice %arg2[%dma_start3A, %dma_start3A_33] : memref<10000x128xf32, #tpu.memory_space<hbm>> -> memref<10000x128xf32, #tpu.memory_space<hbm>>
        tpu.enqueue_indirect_dma source(%dma_start3A_34 : memref<10000x128xf32, #tpu.memory_space<hbm>>) target(%arg10 : memref<128x128xf32, #tpu.memory_space<vmem>>) offsets(%arg8 : memref<128xi32, #tpu.memory_space<vmem>>) semaphore(%arg13 : memref<!tpu.dma_semaphore, #tpu.memory_space<semaphore_mem>>)
        %dma_wait3A = arith.constant 0 : i32
        %dma_wait3A_35 = arith.constant 0 : i32
        %dma_wait3A_36 = tpu.memref_slice %arg2[%dma_wait3A, %dma_wait3A_35] : memref<10000x128xf32, #tpu.memory_space<hbm>> -> memref<10000x128xf32, #tpu.memory_space<hbm>>
        tpu.wait_indirect_dma semaphore(%arg13 : memref<!tpu.dma_semaphore, #tpu.memory_space<semaphore_mem>>) src(%dma_wait3A_36 : memref<10000x128xf32, #tpu.memory_space<hbm>>) dst(%arg10 : memref<128x128xf32, #tpu.memory_space<vmem>>)
        %scan3A_37 = arith.constant 0 : i32
        %scan3A_38 = arith.constant 0 : i32
        %scan3A_39 = arith.constant 128 : i32
        %scan3A_40 = arith.addi %scan3A_38, %scan3A_39 : i32
        %scan3A_41 = arith.constant 1 : i32
        scf.for %scan3A_43 = %scan3A_38 to %scan3A_40 step %scan3A_41  : i32 {
          %get3A = arith.index_cast %scan3A_43 : i32 to index
          %get3A_44 = arith.constant 0 : index
          %get3A_45 = tpu.vector_load %arg10[%get3A, %get3A_44] {strides = array<i32>} : memref<128x128xf32, #tpu.memory_space<vmem>>, vector<1x16xf32>,
          %get3A_46 = vector.shape_cast %get3A_45 : vector<1x16xf32> to vector<16xf32>
          %get3A_47 = arith.index_cast %scan3A_43 : i32 to index
          %get3A_48 = arith.constant 0 : index
          %get3A_49 = tpu.vector_load %arg11[%get3A_47, %get3A_48] {strides = array<i32>} : memref<128x128xf32, #tpu.memory_space<vmem>>, vector<1x16xf32>,
          %get3A_50 = vector.shape_cast %get3A_49 : vector<1x16xf32> to vector<16xf32>
          %add3A_51 = arith.addf %get3A_46, %get3A_50 : vector<16xf32>
          %max3A = arith.constant 0.000000e+00 : f32
          %max3A_52 = vector.broadcast %max3A : f32 to vector<16xf32>
          %max3A_53 = arith.maximumf %add3A_51, %max3A_52 : vector<16xf32>
          %swap3A = arith.index_cast %scan3A_43 : i32 to index
          %swap3A_54 = arith.constant 0 : index
          %swap3A_55 = tpu.vector_load %arg10[%swap3A, %swap3A_54] {strides = array<i32>} : memref<128x128xf32, #tpu.memory_space<vmem>>, vector<1x16xf32>,
          %swap3A_56 = vector.shape_cast %swap3A_55 : vector<1x16xf32> to vector<16xf32>
          %swap3A_57 = vector.shape_cast %max3A_53 : vector<16xf32> to vector<1x16xf32>
          tpu.vector_store %arg10[%swap3A, %swap3A_54], %swap3A_57 {strides = array<i32>} : memref<128x128xf32, #tpu.memory_space<vmem>>, vector<1x16xf32>,
          %get3A_58 = arith.index_cast %scan3A_43 : i32 to index
          %get3A_59 = arith.constant 16 : index
          %get3A_60 = tpu.vector_load %arg10[%get3A_58, %get3A_59] {strides = array<i32>} : memref<128x128xf32, #tpu.memory_space<vmem>>, vector<1x16xf32>,
          %get3A_61 = vector.shape_cast %get3A_60 : vector<1x16xf32> to vector<16xf32>
          %get3A_62 = arith.index_cast %scan3A_43 : i32 to index
          %get3A_63 = arith.constant 16 : index
          %get3A_64 = tpu.vector_load %arg11[%get3A_62, %get3A_63] {strides = array<i32>} : memref<128x128xf32, #tpu.memory_space<vmem>>, vector<1x16xf32>,
          %get3A_65 = vector.shape_cast %get3A_64 : vector<1x16xf32> to vector<16xf32>
          %add3A_66 = arith.addf %get3A_61, %get3A_65 : vector<16xf32>
          %max3A_67 = arith.constant 0.000000e+00 : f32
          %max3A_68 = vector.broadcast %max3A_67 : f32 to vector<16xf32>
          %max3A_69 = arith.maximumf %add3A_66, %max3A_68 : vector<16xf32>
          %swap3A_70 = arith.index_cast %scan3A_43 : i32 to index
          %swap3A_71 = arith.constant 16 : index
          %swap3A_72 = tpu.vector_load %arg10[%swap3A_70, %swap3A_71] {strides = array<i32>} : memref<128x128xf32, #tpu.memory_space<vmem>>, vector<1x16xf32>,
          %swap3A_73 = vector.shape_cast %swap3A_72 : vector<1x16xf32> to vector<16xf32>
          %swap3A_74 = vector.shape_cast %max3A_69 : vector<16xf32> to vector<1x16xf32>
          tpu.vector_store %arg10[%swap3A_70, %swap3A_71], %swap3A_74 {strides = array<i32>} : memref<128x128xf32, #tpu.memory_space<vmem>>, vector<1x16xf32>,
          %get3A_75 = arith.index_cast %scan3A_43 : i32 to index
          %get3A_76 = arith.constant 32 : index
          %get3A_77 = tpu.vector_load %arg10[%get3A_75, %get3A_76] {strides = array<i32>} : memref<128x128xf32, #tpu.memory_space<vmem>>, vector<1x16xf32>,
          %get3A_78 = vector.shape_cast %get3A_77 : vector<1x16xf32> to vector<16xf32>
          %get3A_79 = arith.index_cast %scan3A_43 : i32 to index
          %get3A_80 = arith.constant 32 : index
          %get3A_81 = tpu.vector_load %arg11[%get3A_79, %get3A_80] {strides = array<i32>} : memref<128x128xf32, #tpu.memory_space<vmem>>, vector<1x16xf32>,
          %get3A_82 = vector.shape_cast %get3A_81 : vector<1x16xf32> to vector<16xf32>
          %add3A_83 = arith.addf %get3A_78, %get3A_82 : vector<16xf32>
          %max3A_84 = arith.constant 0.000000e+00 : f32
          %max3A_85 = vector.broadcast %max3A_84 : f32 to vector<16xf32>
          %max3A_86 = arith.maximumf %add3A_83, %max3A_85 : vector<16xf32>
          %swap3A_87 = arith.index_cast %scan3A_43 : i32 to index
          %swap3A_88 = arith.constant 32 : index
          %swap3A_89 = tpu.vector_load %arg10[%swap3A_87, %swap3A_88] {strides = array<i32>} : memref<128x128xf32, #tpu.memory_space<vmem>>, vector<1x16xf32>,
          %swap3A_90 = vector.shape_cast %swap3A_89 : vector<1x16xf32> to vector<16xf32>
          %swap3A_91 = vector.shape_cast %max3A_86 : vector<16xf32> to vector<1x16xf32>
          tpu.vector_store %arg10[%swap3A_87, %swap3A_88], %swap3A_91 {strides = array<i32>} : memref<128x128xf32, #tpu.memory_space<vmem>>, vector<1x16xf32>,
          %get3A_92 = arith.index_cast %scan3A_43 : i32 to index
          %get3A_93 = arith.constant 48 : index
          %get3A_94 = tpu.vector_load %arg10[%get3A_92, %get3A_93] {strides = array<i32>} : memref<128x128xf32, #tpu.memory_space<vmem>>, vector<1x16xf32>,
          %get3A_95 = vector.shape_cast %get3A_94 : vector<1x16xf32> to vector<16xf32>
          %get3A_96 = arith.index_cast %scan3A_43 : i32 to index
          %get3A_97 = arith.constant 48 : index
          %get3A_98 = tpu.vector_load %arg11[%get3A_96, %get3A_97] {strides = array<i32>} : memref<128x128xf32, #tpu.memory_space<vmem>>, vector<1x16xf32>,
          %get3A_99 = vector.shape_cast %get3A_98 : vector<1x16xf32> to vector<16xf32>
          %add3A_100 = arith.addf %get3A_95, %get3A_99 : vector<16xf32>
          %max3A_101 = arith.constant 0.000000e+00 : f32
          %max3A_102 = vector.broadcast %max3A_101 : f32 to vector<16xf32>
          %max3A_103 = arith.maximumf %add3A_100, %max3A_102 : vector<16xf32>
          %swap3A_104 = arith.index_cast %scan3A_43 : i32 to index
          %swap3A_105 = arith.constant 48 : index
          %swap3A_106 = tpu.vector_load %arg10[%swap3A_104, %swap3A_105] {strides = array<i32>} : memref<128x128xf32, #tpu.memory_space<vmem>>, vector<1x16xf32>,
          %swap3A_107 = vector.shape_cast %swap3A_106 : vector<1x16xf32> to vector<16xf32>
          %swap3A_108 = vector.shape_cast %max3A_103 : vector<16xf32> to vector<1x16xf32>
          tpu.vector_store %arg10[%swap3A_104, %swap3A_105], %swap3A_108 {strides = array<i32>} : memref<128x128xf32, #tpu.memory_space<vmem>>, vector<1x16xf32>,
          %get3A_109 = arith.index_cast %scan3A_43 : i32 to index
          %get3A_110 = arith.constant 64 : index
          %get3A_111 = tpu.vector_load %arg10[%get3A_109, %get3A_110] {strides = array<i32>} : memref<128x128xf32, #tpu.memory_space<vmem>>, vector<1x16xf32>,
          %get3A_112 = vector.shape_cast %get3A_111 : vector<1x16xf32> to vector<16xf32>
          %get3A_113 = arith.index_cast %scan3A_43 : i32 to index
          %get3A_114 = arith.constant 64 : index
          %get3A_115 = tpu.vector_load %arg11[%get3A_113, %get3A_114] {strides = array<i32>} : memref<128x128xf32, #tpu.memory_space<vmem>>, vector<1x16xf32>,
          %get3A_116 = vector.shape_cast %get3A_115 : vector<1x16xf32> to vector<16xf32>
          %add3A_117 = arith.addf %get3A_112, %get3A_116 : vector<16xf32>
          %max3A_118 = arith.constant 0.000000e+00 : f32
          %max3A_119 = vector.broadcast %max3A_118 : f32 to vector<16xf32>
          %max3A_120 = arith.maximumf %add3A_117, %max3A_119 : vector<16xf32>
          %swap3A_121 = arith.index_cast %scan3A_43 : i32 to index
          %swap3A_122 = arith.constant 64 : index
          %swap3A_123 = tpu.vector_load %arg10[%swap3A_121, %swap3A_122] {strides = array<i32>} : memref<128x128xf32, #tpu.memory_space<vmem>>, vector<1x16xf32>,
          %swap3A_124 = vector.shape_cast %swap3A_123 : vector<1x16xf32> to vector<16xf32>
          %swap3A_125 = vector.shape_cast %max3A_120 : vector<16xf32> to vector<1x16xf32>
          tpu.vector_store %arg10[%swap3A_121, %swap3A_122], %swap3A_125 {strides = array<i32>} : memref<128x128xf32, #tpu.memory_space<vmem>>, vector<1x16xf32>,
          %get3A_126 = arith.index_cast %scan3A_43 : i32 to index
          %get3A_127 = arith.constant 80 : index
          %get3A_128 = tpu.vector_load %arg10[%get3A_126, %get3A_127] {strides = array<i32>} : memref<128x128xf32, #tpu.memory_space<vmem>>, vector<1x16xf32>,
          %get3A_129 = vector.shape_cast %get3A_128 : vector<1x16xf32> to vector<16xf32>
          %get3A_130 = arith.index_cast %scan3A_43 : i32 to index
          %get3A_131 = arith.constant 80 : index
          %get3A_132 = tpu.vector_load %arg11[%get3A_130, %get3A_131] {strides = array<i32>} : memref<128x128xf32, #tpu.memory_space<vmem>>, vector<1x16xf32>,
          %get3A_133 = vector.shape_cast %get3A_132 : vector<1x16xf32> to vector<16xf32>
          %add3A_134 = arith.addf %get3A_129, %get3A_133 : vector<16xf32>
          %max3A_135 = arith.constant 0.000000e+00 : f32
          %max3A_136 = vector.broadcast %max3A_135 : f32 to vector<16xf32>
          %max3A_137 = arith.maximumf %add3A_134, %max3A_136 : vector<16xf32>
          %swap3A_138 = arith.index_cast %scan3A_43 : i32 to index
          %swap3A_139 = arith.constant 80 : index
          %swap3A_140 = tpu.vector_load %arg10[%swap3A_138, %swap3A_139] {strides = array<i32>} : memref<128x128xf32, #tpu.memory_space<vmem>>, vector<1x16xf32>,
          %swap3A_141 = vector.shape_cast %swap3A_140 : vector<1x16xf32> to vector<16xf32>
          %swap3A_142 = vector.shape_cast %max3A_137 : vector<16xf32> to vector<1x16xf32>
          tpu.vector_store %arg10[%swap3A_138, %swap3A_139], %swap3A_142 {strides = array<i32>} : memref<128x128xf32, #tpu.memory_space<vmem>>, vector<1x16xf32>,
          %get3A_143 = arith.index_cast %scan3A_43 : i32 to index
          %get3A_144 = arith.constant 96 : index
          %get3A_145 = tpu.vector_load %arg10[%get3A_143, %get3A_144] {strides = array<i32>} : memref<128x128xf32, #tpu.memory_space<vmem>>, vector<1x16xf32>,
          %get3A_146 = vector.shape_cast %get3A_145 : vector<1x16xf32> to vector<16xf32>
          %get3A_147 = arith.index_cast %scan3A_43 : i32 to index
          %get3A_148 = arith.constant 96 : index
          %get3A_149 = tpu.vector_load %arg11[%get3A_147, %get3A_148] {strides = array<i32>} : memref<128x128xf32, #tpu.memory_space<vmem>>, vector<1x16xf32>,
          %get3A_150 = vector.shape_cast %get3A_149 : vector<1x16xf32> to vector<16xf32>
          %add3A_151 = arith.addf %get3A_146, %get3A_150 : vector<16xf32>
          %max3A_152 = arith.constant 0.000000e+00 : f32
          %max3A_153 = vector.broadcast %max3A_152 : f32 to vector<16xf32>
          %max3A_154 = arith.maximumf %add3A_151, %max3A_153 : vector<16xf32>
          %swap3A_155 = arith.index_cast %scan3A_43 : i32 to index
          %swap3A_156 = arith.constant 96 : index
          %swap3A_157 = tpu.vector_load %arg10[%swap3A_155, %swap3A_156] {strides = array<i32>} : memref<128x128xf32, #tpu.memory_space<vmem>>, vector<1x16xf32>,
          %swap3A_158 = vector.shape_cast %swap3A_157 : vector<1x16xf32> to vector<16xf32>
          %swap3A_159 = vector.shape_cast %max3A_154 : vector<16xf32> to vector<1x16xf32>
          tpu.vector_store %arg10[%swap3A_155, %swap3A_156], %swap3A_159 {strides = array<i32>} : memref<128x128xf32, #tpu.memory_space<vmem>>, vector<1x16xf32>,
          %get3A_160 = arith.index_cast %scan3A_43 : i32 to index
          %get3A_161 = arith.constant 112 : index
          %get3A_162 = tpu.vector_load %arg10[%get3A_160, %get3A_161] {strides = array<i32>} : memref<128x128xf32, #tpu.memory_space<vmem>>, vector<1x16xf32>,
          %get3A_163 = vector.shape_cast %get3A_162 : vector<1x16xf32> to vector<16xf32>
          %get3A_164 = arith.index_cast %scan3A_43 : i32 to index
          %get3A_165 = arith.constant 112 : index
          %get3A_166 = tpu.vector_load %arg11[%get3A_164, %get3A_165] {strides = array<i32>} : memref<128x128xf32, #tpu.memory_space<vmem>>, vector<1x16xf32>,
          %get3A_167 = vector.shape_cast %get3A_166 : vector<1x16xf32> to vector<16xf32>
          %add3A_168 = arith.addf %get3A_163, %get3A_167 : vector<16xf32>
          %max3A_169 = arith.constant 0.000000e+00 : f32
          %max3A_170 = vector.broadcast %max3A_169 : f32 to vector<16xf32>
          %max3A_171 = arith.maximumf %add3A_168, %max3A_170 : vector<16xf32>
          %swap3A_172 = arith.index_cast %scan3A_43 : i32 to index
          %swap3A_173 = arith.constant 112 : index
          %swap3A_174 = tpu.vector_load %arg10[%swap3A_172, %swap3A_173] {strides = array<i32>} : memref<128x128xf32, #tpu.memory_space<vmem>>, vector<1x16xf32>,
          %swap3A_175 = vector.shape_cast %swap3A_174 : vector<1x16xf32> to vector<16xf32>
          %swap3A_176 = vector.shape_cast %max3A_171 : vector<16xf32> to vector<1x16xf32>
          tpu.vector_store %arg10[%swap3A_172, %swap3A_173], %swap3A_176 {strides = array<i32>} : memref<128x128xf32, #tpu.memory_space<vmem>>, vector<1x16xf32>,
        }
        %scan3A_42 = arith.constant 128 : i32
        "tpu.region"() ({
          %run_scoped3A = tpu.sem_alloc : memref<!tpu.dma_semaphore, #tpu.memory_space<semaphore_mem>>
          %dma_start3A_43 = arith.constant 0 : i32
          %dma_start3A_44 = arith.constant 0 : i32
          %dma_start3A_45 = tpu.memref_slice %arg12[%dma_start3A_43, %dma_start3A_44] : memref<10000x128xf32, #tpu.memory_space<vmem_shared>> -> memref<10000x128xf32, #tpu.memory_space<vmem_shared>>
          tpu.enqueue_indirect_dma source(%arg10 : memref<128x128xf32, #tpu.memory_space<vmem>>) target(%dma_start3A_45 : memref<10000x128xf32, #tpu.memory_space<vmem_shared>>) offsets(%arg9 : memref<128xi32, #tpu.memory_space<vmem>>) semaphore(%run_scoped3A : memref<!tpu.dma_semaphore, #tpu.memory_space<semaphore_mem>>) {add = true}
          %dma_wait3A_46 = arith.constant 0 : i32
          %dma_wait3A_47 = arith.constant 0 : i32
          %dma_wait3A_48 = tpu.memref_slice %arg12[%dma_wait3A_46, %dma_wait3A_47] : memref<10000x128xf32, #tpu.memory_space<vmem_shared>> -> memref<10000x128xf32, #tpu.memory_space<vmem_shared>>
          tpu.wait_indirect_dma semaphore(%run_scoped3A : memref<!tpu.dma_semaphore, #tpu.memory_space<semaphore_mem>>) src(%arg10 : memref<128x128xf32, #tpu.memory_space<vmem>>) dst(%dma_wait3A_48 : memref<10000x128xf32, #tpu.memory_space<vmem_shared>>)
          tpu.yield
        }) : () -> ()
      } else {
      }
    }
    %scan3A_9 = arith.constant 79 : i32
    %barrier3A_10 = arith.constant 0 : index
    tpu.barrier barrier_id(%barrier3A_10)
    %mul3A_11 = arith.constant 624 : i32
    %mul3A_12 = arith.muli %arg1, %mul3A_11 : i32
    %mul3A_13 = arith.constant 10000 : i32
    %mul3A_14 = arith.muli %arg0, %mul3A_13 : i32
    %mul3A_15 = arith.constant 624 : i32
    %mul3A_16 = arith.muli %arg1, %mul3A_15 : i32
    %add3A_17 = arith.addi %mul3A_14, %mul3A_16 : i32
    "tpu.region"() ({
      %run_scoped3A = tpu.sem_alloc : memref<!tpu.dma_semaphore, #tpu.memory_space<semaphore_mem>>
      %dma_start3A = arith.constant 0 : i32
      %dma_start3A_23 = tpu.memref_slice %arg7[%add3A_17, %dma_start3A] : memref<20000x128xf32, #tpu.memory_space<hbm>> -> memref<624x128xf32, #tpu.memory_space<hbm>>
      %dma_start3A_24 = arith.constant 0 : i32
      %dma_start3A_25 = tpu.memref_slice %arg12[%mul3A_12, %dma_start3A_24] : memref<10000x128xf32, #tpu.memory_space<vmem_shared>> -> memref<624x128xf32, #tpu.memory_space<vmem_shared>>
      tpu.enqueue_dma source(%dma_start3A_25 : memref<624x128xf32, #tpu.memory_space<vmem_shared>>) target(%dma_start3A_23 : memref<624x128xf32, #tpu.memory_space<hbm>>) target_semaphore(%run_scoped3A : memref<!tpu.dma_semaphore, #tpu.memory_space<semaphore_mem>>)
      %dma_wait3A = arith.constant 0 : i32
      %dma_wait3A_26 = tpu.memref_slice %arg7[%add3A_17, %dma_wait3A] : memref<20000x128xf32, #tpu.memory_space<hbm>> -> memref<624x128xf32, #tpu.memory_space<hbm>>
      %dma_wait3A_27 = arith.constant 0 : i32
      %dma_wait3A_28 = tpu.memref_slice %arg12[%mul3A_12, %dma_wait3A_27] : memref<10000x128xf32, #tpu.memory_space<vmem_shared>> -> memref<624x128xf32, #tpu.memory_space<vmem_shared>>
      tpu.wait_dma2 semaphore(%run_scoped3A : memref<!tpu.dma_semaphore, #tpu.memory_space<semaphore_mem>>) src(%dma_wait3A_28 : memref<624x128xf32, #tpu.memory_space<vmem_shared>>) dst(%dma_wait3A_26 : memref<624x128xf32, #tpu.memory_space<hbm>>)
      tpu.yield
    }) : () -> ()
    %eq3A_18 = arith.constant 15 : i32
    %eq3A_19 = arith.cmpi eq, %arg1, %eq3A_18 : i32
    %convert_element_type3A_20 = arith.extui %eq3A_19 : i1 to i32
    %cond3A_21 = arith.constant 0 : i32
    %cond3A_22 = arith.cmpi ne, %convert_element_type3A_20, %cond3A_21 : i32
    scf.if %cond3A_22 {
      %mul3A_23 = arith.constant 10000 : i32
      %mul3A_24 = arith.muli %arg0, %mul3A_23 : i32
      %add3A_25 = arith.constant 9984 : i32
      %add3A_26 = arith.addi %mul3A_24, %add3A_25 : i32
      "tpu.region"() ({
        %run_scoped3A = tpu.sem_alloc : memref<!tpu.dma_semaphore, #tpu.memory_space<semaphore_mem>>
        %dma_start3A = arith.constant 0 : i32
        %dma_start3A_27 = tpu.memref_slice %arg7[%add3A_26, %dma_start3A] : memref<20000x128xf32, #tpu.memory_space<hbm>> -> memref<16x128xf32, #tpu.memory_space<hbm>>
        %dma_start3A_28 = arith.constant 9984 : i32
        %dma_start3A_29 = arith.constant 0 : i32
        %dma_start3A_30 = tpu.memref_slice %arg12[%dma_start3A_28, %dma_start3A_29] : memref<10000x128xf32, #tpu.memory_space<vmem_shared>> -> memref<16x128xf32, #tpu.memory_space<vmem_shared>>
        tpu.enqueue_dma source(%dma_start3A_30 : memref<16x128xf32, #tpu.memory_space<vmem_shared>>) target(%dma_start3A_27 : memref<16x128xf32, #tpu.memory_space<hbm>>) target_semaphore(%run_scoped3A : memref<!tpu.dma_semaphore, #tpu.memory_space<semaphore_mem>>)
        %dma_wait3A = arith.constant 0 : i32
        %dma_wait3A_31 = tpu.memref_slice %arg7[%add3A_26, %dma_wait3A] : memref<20000x128xf32, #tpu.memory_space<hbm>> -> memref<16x128xf32, #tpu.memory_space<hbm>>
        %dma_wait3A_32 = arith.constant 9984 : i32
        %dma_wait3A_33 = arith.constant 0 : i32
        %dma_wait3A_34 = tpu.memref_slice %arg12[%dma_wait3A_32, %dma_wait3A_33] : memref<10000x128xf32, #tpu.memory_space<vmem_shared>> -> memref<16x128xf32, #tpu.memory_space<vmem_shared>>
        tpu.wait_dma2 semaphore(%run_scoped3A : memref<!tpu.dma_semaphore, #tpu.memory_space<semaphore_mem>>) src(%dma_wait3A_34 : memref<16x128xf32, #tpu.memory_space<vmem_shared>>) dst(%dma_wait3A_31 : memref<16x128xf32, #tpu.memory_space<hbm>>)
        tpu.yield
      }) : () -> ()
    } else {
    }
    return
  }
}

#map = affine_map<(d0, d1) -> (0, 0)>
#map1 = affine_map<(d0, d1) -> (0)>
module attributes {stable_mosaic.version = 14 : i64} {
  func.func @k(%arg0: i32, %arg1: i32, %arg2: memref<10000x128xf32, #tpu.memory_space<hbm>>, %arg3: memref<320000x128xf32, #tpu.memory_space<hbm>>, %arg4: memref<320000xi32, #tpu.memory_space<hbm>>, %arg5: memref<320000xi32, #tpu.memory_space<hbm>>, %arg6: memref<624x128xf32, #tpu.memory_space<hbm>>, %arg7: memref<20000x128xf32, #tpu.memory_space<hbm>>, %arg8: memref<128xi32, #tpu.memory_space<vmem>>, %arg9: memref<128xi32, #tpu.memory_space<vmem>>, %arg10: memref<128x128xf32, #tpu.memory_space<vmem>>, %arg11: memref<128x128xf32, #tpu.memory_space<vmem>>, %arg12: memref<10000x128xf32, #tpu.memory_space<vmem_shared>>, %arg13: memref<!tpu.dma_semaphore, #tpu.memory_space<semaphore_mem>>) attributes {dimension_semantics = [#tpu.dimension_semantics<core_parallel>, #tpu.dimension_semantics<subcore_parallel>], iteration_bounds = array<i64: 2, 16>, scalar_prefetch = 0 : i64, scratch_operands = 6 : i64, tpu.core_type = #tpu.core_type<sc_vector_subcore>, window_params = [{transform_indices = #map}, {transform_indices = #map}, {transform_indices = #map1}, {transform_indices = #map1}, {transform_indices = #map}, {transform_indices = #map}]} {
    %mul3A = arith.constant 2 : i32
    %mul3A_0 = arith.muli %arg1, %mul3A : i32
    %add3A = arith.addi %mul3A_0, %arg0 : i32
    %mul3A_1 = arith.constant 624 : i32
    %mul3A_2 = arith.muli %arg1, %mul3A_1 : i32
    "tpu.region"() ({
      %run_scoped3A = tpu.sem_alloc : memref<!tpu.dma_semaphore, #tpu.memory_space<semaphore_mem>>
      %dma_start3A = arith.constant 0 : i32
      %dma_start3A_23 = tpu.memref_slice %arg12[%mul3A_2, %dma_start3A] : memref<10000x128xf32, #tpu.memory_space<vmem_shared>> -> memref<624x128xf32, #tpu.memory_space<vmem_shared>>
      %dma_start3A_24 = arith.constant 0 : i32
      %dma_start3A_25 = arith.constant 0 : i32
      %dma_start3A_26 = tpu.memref_slice %arg6[%dma_start3A_24, %dma_start3A_25] : memref<624x128xf32, #tpu.memory_space<hbm>> -> memref<624x128xf32, #tpu.memory_space<hbm>>
      tpu.enqueue_dma source(%dma_start3A_26 : memref<624x128xf32, #tpu.memory_space<hbm>>) target(%dma_start3A_23 : memref<624x128xf32, #tpu.memory_space<vmem_shared>>) target_semaphore(%run_scoped3A : memref<!tpu.dma_semaphore, #tpu.memory_space<semaphore_mem>>)
      %dma_wait3A = arith.constant 0 : i32
      %dma_wait3A_27 = tpu.memref_slice %arg12[%mul3A_2, %dma_wait3A] : memref<10000x128xf32, #tpu.memory_space<vmem_shared>> -> memref<624x128xf32, #tpu.memory_space<vmem_shared>>
      %dma_wait3A_28 = arith.constant 0 : i32
      %dma_wait3A_29 = arith.constant 0 : i32
      %dma_wait3A_30 = tpu.memref_slice %arg6[%dma_wait3A_28, %dma_wait3A_29] : memref<624x128xf32, #tpu.memory_space<hbm>> -> memref<624x128xf32, #tpu.memory_space<hbm>>
      tpu.wait_dma2 semaphore(%run_scoped3A : memref<!tpu.dma_semaphore, #tpu.memory_space<semaphore_mem>>) src(%dma_wait3A_30 : memref<624x128xf32, #tpu.memory_space<hbm>>) dst(%dma_wait3A_27 : memref<624x128xf32, #tpu.memory_space<vmem_shared>>)
      tpu.yield
    }) : () -> ()
    %eq3A = arith.constant 15 : i32
    %eq3A_3 = arith.cmpi eq, %arg1, %eq3A : i32
    %convert_element_type3A = arith.extui %eq3A_3 : i1 to i32
    %cond3A = arith.constant 0 : i32
    %cond3A_4 = arith.cmpi ne, %convert_element_type3A, %cond3A : i32
    scf.if %cond3A_4 {
      "tpu.region"() ({
        %run_scoped3A = tpu.sem_alloc : memref<!tpu.dma_semaphore, #tpu.memory_space<semaphore_mem>>
        %dma_start3A = arith.constant 9984 : i32
        %dma_start3A_23 = arith.constant 0 : i32
        %dma_start3A_24 = tpu.memref_slice %arg12[%dma_start3A, %dma_start3A_23] : memref<10000x128xf32, #tpu.memory_space<vmem_shared>> -> memref<16x128xf32, #tpu.memory_space<vmem_shared>>
        %dma_start3A_25 = arith.constant 0 : i32
        %dma_start3A_26 = arith.constant 0 : i32
        %dma_start3A_27 = tpu.memref_slice %arg6[%dma_start3A_25, %dma_start3A_26] : memref<624x128xf32, #tpu.memory_space<hbm>> -> memref<16x128xf32, #tpu.memory_space<hbm>>
        tpu.enqueue_dma source(%dma_start3A_27 : memref<16x128xf32, #tpu.memory_space<hbm>>) target(%dma_start3A_24 : memref<16x128xf32, #tpu.memory_space<vmem_shared>>) target_semaphore(%run_scoped3A : memref<!tpu.dma_semaphore, #tpu.memory_space<semaphore_mem>>)
        %dma_wait3A = arith.constant 9984 : i32
        %dma_wait3A_28 = arith.constant 0 : i32
        %dma_wait3A_29 = tpu.memref_slice %arg12[%dma_wait3A, %dma_wait3A_28] : memref<10000x128xf32, #tpu.memory_space<vmem_shared>> -> memref<16x128xf32, #tpu.memory_space<vmem_shared>>
        %dma_wait3A_30 = arith.constant 0 : i32
        %dma_wait3A_31 = arith.constant 0 : i32
        %dma_wait3A_32 = tpu.memref_slice %arg6[%dma_wait3A_30, %dma_wait3A_31] : memref<624x128xf32, #tpu.memory_space<hbm>> -> memref<16x128xf32, #tpu.memory_space<hbm>>
        tpu.wait_dma2 semaphore(%run_scoped3A : memref<!tpu.dma_semaphore, #tpu.memory_space<semaphore_mem>>) src(%dma_wait3A_32 : memref<16x128xf32, #tpu.memory_space<hbm>>) dst(%dma_wait3A_29 : memref<16x128xf32, #tpu.memory_space<vmem_shared>>)
        tpu.yield
      }) : () -> ()
    } else {
    }
    %barrier3A = arith.constant 0 : index
    tpu.barrier barrier_id(%barrier3A)
    %scan3A = arith.constant 0 : i32
    %scan3A_5 = arith.constant 0 : i32
    %scan3A_6 = arith.constant 79 : i32
    %scan3A_7 = arith.addi %scan3A_5, %scan3A_6 : i32
    %scan3A_8 = arith.constant 1 : i32
    scf.for %scan3A_23 = %scan3A_5 to %scan3A_7 step %scan3A_8  : i32 {
      %mul3A_24 = arith.constant 32 : i32
      %mul3A_25 = arith.muli %scan3A_23, %mul3A_24 : i32
      %add3A_26 = arith.addi %mul3A_25, %add3A : i32
      %lt3A = arith.constant 2500 : i32
      %lt3A_27 = arith.cmpi slt, %add3A_26, %lt3A : i32
      %convert_element_type3A_28 = arith.extui %lt3A_27 : i1 to i32
      %cond3A_29 = arith.constant 0 : i32
      %cond3A_30 = arith.cmpi ne, %convert_element_type3A_28, %cond3A_29 : i32
      scf.if %cond3A_30 {
        %mul3A_31 = arith.constant 128 : i32
        %mul3A_32 = arith.muli %add3A_26, %mul3A_31 : i32
        "tpu.region"() ({
          %run_scoped3A = tpu.sem_alloc : memref<!tpu.dma_semaphore, #tpu.memory_space<semaphore_mem>>
          %dma_start3A_43 = tpu.memref_slice %arg4[%mul3A_32] : memref<320000xi32, #tpu.memory_space<hbm>> -> memref<128xi32, #tpu.memory_space<hbm>>
          %dma_start3A_44 = tpu.memref_slice %arg4[%mul3A_32] : memref<320000xi32, #tpu.memory_space<hbm>> -> memref<128xi32, #tpu.memory_space<hbm>>
          tpu.enqueue_dma source(%dma_start3A_44 : memref<128xi32, #tpu.memory_space<hbm>>) target(%arg8 : memref<128xi32, #tpu.memory_space<vmem>>) target_semaphore(%run_scoped3A : memref<!tpu.dma_semaphore, #tpu.memory_space<semaphore_mem>>)
          %dma_wait3A_45 = tpu.memref_slice %arg4[%mul3A_32] : memref<320000xi32, #tpu.memory_space<hbm>> -> memref<128xi32, #tpu.memory_space<hbm>>
          %dma_wait3A_46 = tpu.memref_slice %arg4[%mul3A_32] : memref<320000xi32, #tpu.memory_space<hbm>> -> memref<128xi32, #tpu.memory_space<hbm>>
          tpu.wait_dma2 semaphore(%run_scoped3A : memref<!tpu.dma_semaphore, #tpu.memory_space<semaphore_mem>>) src(%dma_wait3A_46 : memref<128xi32, #tpu.memory_space<hbm>>) dst(%arg8 : memref<128xi32, #tpu.memory_space<vmem>>)
          tpu.yield
        }) : () -> ()
        "tpu.region"() ({
          %run_scoped3A = tpu.sem_alloc : memref<!tpu.dma_semaphore, #tpu.memory_space<semaphore_mem>>
          %dma_start3A_43 = tpu.memref_slice %arg5[%mul3A_32] : memref<320000xi32, #tpu.memory_space<hbm>> -> memref<128xi32, #tpu.memory_space<hbm>>
          %dma_start3A_44 = tpu.memref_slice %arg5[%mul3A_32] : memref<320000xi32, #tpu.memory_space<hbm>> -> memref<128xi32, #tpu.memory_space<hbm>>
          tpu.enqueue_dma source(%dma_start3A_44 : memref<128xi32, #tpu.memory_space<hbm>>) target(%arg9 : memref<128xi32, #tpu.memory_space<vmem>>) target_semaphore(%run_scoped3A : memref<!tpu.dma_semaphore, #tpu.memory_space<semaphore_mem>>)
          %dma_wait3A_45 = tpu.memref_slice %arg5[%mul3A_32] : memref<320000xi32, #tpu.memory_space<hbm>> -> memref<128xi32, #tpu.memory_space<hbm>>
          %dma_wait3A_46 = tpu.memref_slice %arg5[%mul3A_32] : memref<320000xi32, #tpu.memory_space<hbm>> -> memref<128xi32, #tpu.memory_space<hbm>>
          tpu.wait_dma2 semaphore(%run_scoped3A : memref<!tpu.dma_semaphore, #tpu.memory_space<semaphore_mem>>) src(%dma_wait3A_46 : memref<128xi32, #tpu.memory_space<hbm>>) dst(%arg9 : memref<128xi32, #tpu.memory_space<vmem>>)
          tpu.yield
        }) : () -> ()
        "tpu.region"() ({
          %run_scoped3A = tpu.sem_alloc : memref<!tpu.dma_semaphore, #tpu.memory_space<semaphore_mem>>
          %dma_start3A_43 = arith.constant 0 : i32
          %dma_start3A_44 = tpu.memref_slice %arg3[%mul3A_32, %dma_start3A_43] : memref<320000x128xf32, #tpu.memory_space<hbm>> -> memref<128x128xf32, #tpu.memory_space<hbm>>
          %dma_start3A_45 = arith.constant 0 : i32
          %dma_start3A_46 = tpu.memref_slice %arg3[%mul3A_32, %dma_start3A_45] : memref<320000x128xf32, #tpu.memory_space<hbm>> -> memref<128x128xf32, #tpu.memory_space<hbm>>
          tpu.enqueue_dma source(%dma_start3A_46 : memref<128x128xf32, #tpu.memory_space<hbm>>) target(%arg11 : memref<128x128xf32, #tpu.memory_space<vmem>>) target_semaphore(%run_scoped3A : memref<!tpu.dma_semaphore, #tpu.memory_space<semaphore_mem>>)
          %dma_wait3A_47 = arith.constant 0 : i32
          %dma_wait3A_48 = tpu.memref_slice %arg3[%mul3A_32, %dma_wait3A_47] : memref<320000x128xf32, #tpu.memory_space<hbm>> -> memref<128x128xf32, #tpu.memory_space<hbm>>
          %dma_wait3A_49 = arith.constant 0 : i32
          %dma_wait3A_50 = tpu.memref_slice %arg3[%mul3A_32, %dma_wait3A_49] : memref<320000x128xf32, #tpu.memory_space<hbm>> -> memref<128x128xf32, #tpu.memory_space<hbm>>
          tpu.wait_dma2 semaphore(%run_scoped3A : memref<!tpu.dma_semaphore, #tpu.memory_space<semaphore_mem>>) src(%dma_wait3A_50 : memref<128x128xf32, #tpu.memory_space<hbm>>) dst(%arg11 : memref<128x128xf32, #tpu.memory_space<vmem>>)
          tpu.yield
        }) : () -> ()
        %dma_start3A = arith.constant 0 : i32
        %dma_start3A_33 = arith.constant 0 : i32
        %dma_start3A_34 = tpu.memref_slice %arg2[%dma_start3A, %dma_start3A_33] : memref<10000x128xf32, #tpu.memory_space<hbm>> -> memref<10000x128xf32, #tpu.memory_space<hbm>>
        tpu.enqueue_indirect_dma source(%dma_start3A_34 : memref<10000x128xf32, #tpu.memory_space<hbm>>) target(%arg10 : memref<128x128xf32, #tpu.memory_space<vmem>>) offsets(%arg8 : memref<128xi32, #tpu.memory_space<vmem>>) semaphore(%arg13 : memref<!tpu.dma_semaphore, #tpu.memory_space<semaphore_mem>>)
        %dma_wait3A = arith.constant 0 : i32
        %dma_wait3A_35 = arith.constant 0 : i32
        %dma_wait3A_36 = tpu.memref_slice %arg2[%dma_wait3A, %dma_wait3A_35] : memref<10000x128xf32, #tpu.memory_space<hbm>> -> memref<10000x128xf32, #tpu.memory_space<hbm>>
        tpu.wait_indirect_dma semaphore(%arg13 : memref<!tpu.dma_semaphore, #tpu.memory_space<semaphore_mem>>) src(%dma_wait3A_36 : memref<10000x128xf32, #tpu.memory_space<hbm>>) dst(%arg10 : memref<128x128xf32, #tpu.memory_space<vmem>>)
        %scan3A_37 = arith.constant 0 : i32
        %scan3A_38 = arith.constant 0 : i32
        %scan3A_39 = arith.constant 128 : i32
        %scan3A_40 = arith.addi %scan3A_38, %scan3A_39 : i32
        %scan3A_41 = arith.constant 1 : i32
        scf.for %scan3A_43 = %scan3A_38 to %scan3A_40 step %scan3A_41  : i32 {
          %get3A = arith.index_cast %scan3A_43 : i32 to index
          %get3A_44 = arith.constant 0 : index
          %get3A_45 = tpu.vector_load %arg10[%get3A, %get3A_44] {strides = array<i32>} : memref<128x128xf32, #tpu.memory_space<vmem>>, vector<1x16xf32>,
          %get3A_46 = vector.shape_cast %get3A_45 : vector<1x16xf32> to vector<16xf32>
          %get3A_47 = arith.index_cast %scan3A_43 : i32 to index
          %get3A_48 = arith.constant 0 : index
          %get3A_49 = tpu.vector_load %arg11[%get3A_47, %get3A_48] {strides = array<i32>} : memref<128x128xf32, #tpu.memory_space<vmem>>, vector<1x16xf32>,
          %get3A_50 = vector.shape_cast %get3A_49 : vector<1x16xf32> to vector<16xf32>
          %add3A_51 = arith.addf %get3A_46, %get3A_50 : vector<16xf32>
          %max3A = arith.constant 0.000000e+00 : f32
          %max3A_52 = vector.broadcast %max3A : f32 to vector<16xf32>
          %max3A_53 = arith.maximumf %add3A_51, %max3A_52 : vector<16xf32>
          %swap3A = arith.index_cast %scan3A_43 : i32 to index
          %swap3A_54 = arith.constant 0 : index
          %swap3A_55 = tpu.vector_load %arg10[%swap3A, %swap3A_54] {strides = array<i32>} : memref<128x128xf32, #tpu.memory_space<vmem>>, vector<1x16xf32>,
          %swap3A_56 = vector.shape_cast %swap3A_55 : vector<1x16xf32> to vector<16xf32>
          %swap3A_57 = vector.shape_cast %max3A_53 : vector<16xf32> to vector<1x16xf32>
          tpu.vector_store %arg10[%swap3A, %swap3A_54], %swap3A_57 {strides = array<i32>} : memref<128x128xf32, #tpu.memory_space<vmem>>, vector<1x16xf32>,
          %get3A_58 = arith.index_cast %scan3A_43 : i32 to index
          %get3A_59 = arith.constant 16 : index
          %get3A_60 = tpu.vector_load %arg10[%get3A_58, %get3A_59] {strides = array<i32>} : memref<128x128xf32, #tpu.memory_space<vmem>>, vector<1x16xf32>,
          %get3A_61 = vector.shape_cast %get3A_60 : vector<1x16xf32> to vector<16xf32>
          %get3A_62 = arith.index_cast %scan3A_43 : i32 to index
          %get3A_63 = arith.constant 16 : index
          %get3A_64 = tpu.vector_load %arg11[%get3A_62, %get3A_63] {strides = array<i32>} : memref<128x128xf32, #tpu.memory_space<vmem>>, vector<1x16xf32>,
          %get3A_65 = vector.shape_cast %get3A_64 : vector<1x16xf32> to vector<16xf32>
          %add3A_66 = arith.addf %get3A_61, %get3A_65 : vector<16xf32>
          %max3A_67 = arith.constant 0.000000e+00 : f32
          %max3A_68 = vector.broadcast %max3A_67 : f32 to vector<16xf32>
          %max3A_69 = arith.maximumf %add3A_66, %max3A_68 : vector<16xf32>
          %swap3A_70 = arith.index_cast %scan3A_43 : i32 to index
          %swap3A_71 = arith.constant 16 : index
          %swap3A_72 = tpu.vector_load %arg10[%swap3A_70, %swap3A_71] {strides = array<i32>} : memref<128x128xf32, #tpu.memory_space<vmem>>, vector<1x16xf32>,
          %swap3A_73 = vector.shape_cast %swap3A_72 : vector<1x16xf32> to vector<16xf32>
          %swap3A_74 = vector.shape_cast %max3A_69 : vector<16xf32> to vector<1x16xf32>
          tpu.vector_store %arg10[%swap3A_70, %swap3A_71], %swap3A_74 {strides = array<i32>} : memref<128x128xf32, #tpu.memory_space<vmem>>, vector<1x16xf32>,
          %get3A_75 = arith.index_cast %scan3A_43 : i32 to index
          %get3A_76 = arith.constant 32 : index
          %get3A_77 = tpu.vector_load %arg10[%get3A_75, %get3A_76] {strides = array<i32>} : memref<128x128xf32, #tpu.memory_space<vmem>>, vector<1x16xf32>,
          %get3A_78 = vector.shape_cast %get3A_77 : vector<1x16xf32> to vector<16xf32>
          %get3A_79 = arith.index_cast %scan3A_43 : i32 to index
          %get3A_80 = arith.constant 32 : index
          %get3A_81 = tpu.vector_load %arg11[%get3A_79, %get3A_80] {strides = array<i32>} : memref<128x128xf32, #tpu.memory_space<vmem>>, vector<1x16xf32>,
          %get3A_82 = vector.shape_cast %get3A_81 : vector<1x16xf32> to vector<16xf32>
          %add3A_83 = arith.addf %get3A_78, %get3A_82 : vector<16xf32>
          %max3A_84 = arith.constant 0.000000e+00 : f32
          %max3A_85 = vector.broadcast %max3A_84 : f32 to vector<16xf32>
          %max3A_86 = arith.maximumf %add3A_83, %max3A_85 : vector<16xf32>
          %swap3A_87 = arith.index_cast %scan3A_43 : i32 to index
          %swap3A_88 = arith.constant 32 : index
          %swap3A_89 = tpu.vector_load %arg10[%swap3A_87, %swap3A_88] {strides = array<i32>} : memref<128x128xf32, #tpu.memory_space<vmem>>, vector<1x16xf32>,
          %swap3A_90 = vector.shape_cast %swap3A_89 : vector<1x16xf32> to vector<16xf32>
          %swap3A_91 = vector.shape_cast %max3A_86 : vector<16xf32> to vector<1x16xf32>
          tpu.vector_store %arg10[%swap3A_87, %swap3A_88], %swap3A_91 {strides = array<i32>} : memref<128x128xf32, #tpu.memory_space<vmem>>, vector<1x16xf32>,
          %get3A_92 = arith.index_cast %scan3A_43 : i32 to index
          %get3A_93 = arith.constant 48 : index
          %get3A_94 = tpu.vector_load %arg10[%get3A_92, %get3A_93] {strides = array<i32>} : memref<128x128xf32, #tpu.memory_space<vmem>>, vector<1x16xf32>,
          %get3A_95 = vector.shape_cast %get3A_94 : vector<1x16xf32> to vector<16xf32>
          %get3A_96 = arith.index_cast %scan3A_43 : i32 to index
          %get3A_97 = arith.constant 48 : index
          %get3A_98 = tpu.vector_load %arg11[%get3A_96, %get3A_97] {strides = array<i32>} : memref<128x128xf32, #tpu.memory_space<vmem>>, vector<1x16xf32>,
          %get3A_99 = vector.shape_cast %get3A_98 : vector<1x16xf32> to vector<16xf32>
          %add3A_100 = arith.addf %get3A_95, %get3A_99 : vector<16xf32>
          %max3A_101 = arith.constant 0.000000e+00 : f32
          %max3A_102 = vector.broadcast %max3A_101 : f32 to vector<16xf32>
          %max3A_103 = arith.maximumf %add3A_100, %max3A_102 : vector<16xf32>
          %swap3A_104 = arith.index_cast %scan3A_43 : i32 to index
          %swap3A_105 = arith.constant 48 : index
          %swap3A_106 = tpu.vector_load %arg10[%swap3A_104, %swap3A_105] {strides = array<i32>} : memref<128x128xf32, #tpu.memory_space<vmem>>, vector<1x16xf32>,
          %swap3A_107 = vector.shape_cast %swap3A_106 : vector<1x16xf32> to vector<16xf32>
          %swap3A_108 = vector.shape_cast %max3A_103 : vector<16xf32> to vector<1x16xf32>
          tpu.vector_store %arg10[%swap3A_104, %swap3A_105], %swap3A_108 {strides = array<i32>} : memref<128x128xf32, #tpu.memory_space<vmem>>, vector<1x16xf32>,
          %get3A_109 = arith.index_cast %scan3A_43 : i32 to index
          %get3A_110 = arith.constant 64 : index
          %get3A_111 = tpu.vector_load %arg10[%get3A_109, %get3A_110] {strides = array<i32>} : memref<128x128xf32, #tpu.memory_space<vmem>>, vector<1x16xf32>,
          %get3A_112 = vector.shape_cast %get3A_111 : vector<1x16xf32> to vector<16xf32>
          %get3A_113 = arith.index_cast %scan3A_43 : i32 to index
          %get3A_114 = arith.constant 64 : index
          %get3A_115 = tpu.vector_load %arg11[%get3A_113, %get3A_114] {strides = array<i32>} : memref<128x128xf32, #tpu.memory_space<vmem>>, vector<1x16xf32>,
          %get3A_116 = vector.shape_cast %get3A_115 : vector<1x16xf32> to vector<16xf32>
          %add3A_117 = arith.addf %get3A_112, %get3A_116 : vector<16xf32>
          %max3A_118 = arith.constant 0.000000e+00 : f32
          %max3A_119 = vector.broadcast %max3A_118 : f32 to vector<16xf32>
          %max3A_120 = arith.maximumf %add3A_117, %max3A_119 : vector<16xf32>
          %swap3A_121 = arith.index_cast %scan3A_43 : i32 to index
          %swap3A_122 = arith.constant 64 : index
          %swap3A_123 = tpu.vector_load %arg10[%swap3A_121, %swap3A_122] {strides = array<i32>} : memref<128x128xf32, #tpu.memory_space<vmem>>, vector<1x16xf32>,
          %swap3A_124 = vector.shape_cast %swap3A_123 : vector<1x16xf32> to vector<16xf32>
          %swap3A_125 = vector.shape_cast %max3A_120 : vector<16xf32> to vector<1x16xf32>
          tpu.vector_store %arg10[%swap3A_121, %swap3A_122], %swap3A_125 {strides = array<i32>} : memref<128x128xf32, #tpu.memory_space<vmem>>, vector<1x16xf32>,
          %get3A_126 = arith.index_cast %scan3A_43 : i32 to index
          %get3A_127 = arith.constant 80 : index
          %get3A_128 = tpu.vector_load %arg10[%get3A_126, %get3A_127] {strides = array<i32>} : memref<128x128xf32, #tpu.memory_space<vmem>>, vector<1x16xf32>,
          %get3A_129 = vector.shape_cast %get3A_128 : vector<1x16xf32> to vector<16xf32>
          %get3A_130 = arith.index_cast %scan3A_43 : i32 to index
          %get3A_131 = arith.constant 80 : index
          %get3A_132 = tpu.vector_load %arg11[%get3A_130, %get3A_131] {strides = array<i32>} : memref<128x128xf32, #tpu.memory_space<vmem>>, vector<1x16xf32>,
          %get3A_133 = vector.shape_cast %get3A_132 : vector<1x16xf32> to vector<16xf32>
          %add3A_134 = arith.addf %get3A_129, %get3A_133 : vector<16xf32>
          %max3A_135 = arith.constant 0.000000e+00 : f32
          %max3A_136 = vector.broadcast %max3A_135 : f32 to vector<16xf32>
          %max3A_137 = arith.maximumf %add3A_134, %max3A_136 : vector<16xf32>
          %swap3A_138 = arith.index_cast %scan3A_43 : i32 to index
          %swap3A_139 = arith.constant 80 : index
          %swap3A_140 = tpu.vector_load %arg10[%swap3A_138, %swap3A_139] {strides = array<i32>} : memref<128x128xf32, #tpu.memory_space<vmem>>, vector<1x16xf32>,
          %swap3A_141 = vector.shape_cast %swap3A_140 : vector<1x16xf32> to vector<16xf32>
          %swap3A_142 = vector.shape_cast %max3A_137 : vector<16xf32> to vector<1x16xf32>
          tpu.vector_store %arg10[%swap3A_138, %swap3A_139], %swap3A_142 {strides = array<i32>} : memref<128x128xf32, #tpu.memory_space<vmem>>, vector<1x16xf32>,
          %get3A_143 = arith.index_cast %scan3A_43 : i32 to index
          %get3A_144 = arith.constant 96 : index
          %get3A_145 = tpu.vector_load %arg10[%get3A_143, %get3A_144] {strides = array<i32>} : memref<128x128xf32, #tpu.memory_space<vmem>>, vector<1x16xf32>,
          %get3A_146 = vector.shape_cast %get3A_145 : vector<1x16xf32> to vector<16xf32>
          %get3A_147 = arith.index_cast %scan3A_43 : i32 to index
          %get3A_148 = arith.constant 96 : index
          %get3A_149 = tpu.vector_load %arg11[%get3A_147, %get3A_148] {strides = array<i32>} : memref<128x128xf32, #tpu.memory_space<vmem>>, vector<1x16xf32>,
          %get3A_150 = vector.shape_cast %get3A_149 : vector<1x16xf32> to vector<16xf32>
          %add3A_151 = arith.addf %get3A_146, %get3A_150 : vector<16xf32>
          %max3A_152 = arith.constant 0.000000e+00 : f32
          %max3A_153 = vector.broadcast %max3A_152 : f32 to vector<16xf32>
          %max3A_154 = arith.maximumf %add3A_151, %max3A_153 : vector<16xf32>
          %swap3A_155 = arith.index_cast %scan3A_43 : i32 to index
          %swap3A_156 = arith.constant 96 : index
          %swap3A_157 = tpu.vector_load %arg10[%swap3A_155, %swap3A_156] {strides = array<i32>} : memref<128x128xf32, #tpu.memory_space<vmem>>, vector<1x16xf32>,
          %swap3A_158 = vector.shape_cast %swap3A_157 : vector<1x16xf32> to vector<16xf32>
          %swap3A_159 = vector.shape_cast %max3A_154 : vector<16xf32> to vector<1x16xf32>
          tpu.vector_store %arg10[%swap3A_155, %swap3A_156], %swap3A_159 {strides = array<i32>} : memref<128x128xf32, #tpu.memory_space<vmem>>, vector<1x16xf32>,
          %get3A_160 = arith.index_cast %scan3A_43 : i32 to index
          %get3A_161 = arith.constant 112 : index
          %get3A_162 = tpu.vector_load %arg10[%get3A_160, %get3A_161] {strides = array<i32>} : memref<128x128xf32, #tpu.memory_space<vmem>>, vector<1x16xf32>,
          %get3A_163 = vector.shape_cast %get3A_162 : vector<1x16xf32> to vector<16xf32>
          %get3A_164 = arith.index_cast %scan3A_43 : i32 to index
          %get3A_165 = arith.constant 112 : index
          %get3A_166 = tpu.vector_load %arg11[%get3A_164, %get3A_165] {strides = array<i32>} : memref<128x128xf32, #tpu.memory_space<vmem>>, vector<1x16xf32>,
          %get3A_167 = vector.shape_cast %get3A_166 : vector<1x16xf32> to vector<16xf32>
          %add3A_168 = arith.addf %get3A_163, %get3A_167 : vector<16xf32>
          %max3A_169 = arith.constant 0.000000e+00 : f32
          %max3A_170 = vector.broadcast %max3A_169 : f32 to vector<16xf32>
          %max3A_171 = arith.maximumf %add3A_168, %max3A_170 : vector<16xf32>
          %swap3A_172 = arith.index_cast %scan3A_43 : i32 to index
          %swap3A_173 = arith.constant 112 : index
          %swap3A_174 = tpu.vector_load %arg10[%swap3A_172, %swap3A_173] {strides = array<i32>} : memref<128x128xf32, #tpu.memory_space<vmem>>, vector<1x16xf32>,
          %swap3A_175 = vector.shape_cast %swap3A_174 : vector<1x16xf32> to vector<16xf32>
          %swap3A_176 = vector.shape_cast %max3A_171 : vector<16xf32> to vector<1x16xf32>
          tpu.vector_store %arg10[%swap3A_172, %swap3A_173], %swap3A_176 {strides = array<i32>} : memref<128x128xf32, #tpu.memory_space<vmem>>, vector<1x16xf32>,
        }
        %scan3A_42 = arith.constant 128 : i32
        "tpu.region"() ({
          %run_scoped3A = tpu.sem_alloc : memref<!tpu.dma_semaphore, #tpu.memory_space<semaphore_mem>>
          %dma_start3A_43 = arith.constant 0 : i32
          %dma_start3A_44 = arith.constant 0 : i32
          %dma_start3A_45 = tpu.memref_slice %arg12[%dma_start3A_43, %dma_start3A_44] : memref<10000x128xf32, #tpu.memory_space<vmem_shared>> -> memref<10000x128xf32, #tpu.memory_space<vmem_shared>>
          tpu.enqueue_indirect_dma source(%arg10 : memref<128x128xf32, #tpu.memory_space<vmem>>) target(%dma_start3A_45 : memref<10000x128xf32, #tpu.memory_space<vmem_shared>>) offsets(%arg9 : memref<128xi32, #tpu.memory_space<vmem>>) semaphore(%run_scoped3A : memref<!tpu.dma_semaphore, #tpu.memory_space<semaphore_mem>>) {add = true}
          %dma_wait3A_46 = arith.constant 0 : i32
          %dma_wait3A_47 = arith.constant 0 : i32
          %dma_wait3A_48 = tpu.memref_slice %arg12[%dma_wait3A_46, %dma_wait3A_47] : memref<10000x128xf32, #tpu.memory_space<vmem_shared>> -> memref<10000x128xf32, #tpu.memory_space<vmem_shared>>
          tpu.wait_indirect_dma semaphore(%run_scoped3A : memref<!tpu.dma_semaphore, #tpu.memory_space<semaphore_mem>>) src(%arg10 : memref<128x128xf32, #tpu.memory_space<vmem>>) dst(%dma_wait3A_48 : memref<10000x128xf32, #tpu.memory_space<vmem_shared>>)
          tpu.yield
        }) : () -> ()
      } else {
      }
    }
    %scan3A_9 = arith.constant 79 : i32
    %barrier3A_10 = arith.constant 0 : index
    tpu.barrier barrier_id(%barrier3A_10)
    %mul3A_11 = arith.constant 624 : i32
    %mul3A_12 = arith.muli %arg1, %mul3A_11 : i32
    %mul3A_13 = arith.constant 10000 : i32
    %mul3A_14 = arith.muli %arg0, %mul3A_13 : i32
    %mul3A_15 = arith.constant 624 : i32
    %mul3A_16 = arith.muli %arg1, %mul3A_15 : i32
    %add3A_17 = arith.addi %mul3A_14, %mul3A_16 : i32
    "tpu.region"() ({
      %run_scoped3A = tpu.sem_alloc : memref<!tpu.dma_semaphore, #tpu.memory_space<semaphore_mem>>
      %dma_start3A = arith.constant 0 : i32
      %dma_start3A_23 = tpu.memref_slice %arg7[%add3A_17, %dma_start3A] : memref<20000x128xf32, #tpu.memory_space<hbm>> -> memref<624x128xf32, #tpu.memory_space<hbm>>
      %dma_start3A_24 = arith.constant 0 : i32
      %dma_start3A_25 = tpu.memref_slice %arg12[%mul3A_12, %dma_start3A_24] : memref<10000x128xf32, #tpu.memory_space<vmem_shared>> -> memref<624x128xf32, #tpu.memory_space<vmem_shared>>
      tpu.enqueue_dma source(%dma_start3A_25 : memref<624x128xf32, #tpu.memory_space<vmem_shared>>) target(%dma_start3A_23 : memref<624x128xf32, #tpu.memory_space<hbm>>) target_semaphore(%run_scoped3A : memref<!tpu.dma_semaphore, #tpu.memory_space<semaphore_mem>>)
      %dma_wait3A = arith.constant 0 : i32
      %dma_wait3A_26 = tpu.memref_slice %arg7[%add3A_17, %dma_wait3A] : memref<20000x128xf32, #tpu.memory_space<hbm>> -> memref<624x128xf32, #tpu.memory_space<hbm>>
      %dma_wait3A_27 = arith.constant 0 : i32
      %dma_wait3A_28 = tpu.memref_slice %arg12[%mul3A_12, %dma_wait3A_27] : memref<10000x128xf32, #tpu.memory_space<vmem_shared>> -> memref<624x128xf32, #tpu.memory_space<vmem_shared>>
      tpu.wait_dma2 semaphore(%run_scoped3A : memref<!tpu.dma_semaphore, #tpu.memory_space<semaphore_mem>>) src(%dma_wait3A_28 : memref<624x128xf32, #tpu.memory_space<vmem_shared>>) dst(%dma_wait3A_26 : memref<624x128xf32, #tpu.memory_space<hbm>>)
      tpu.yield
    }) : () -> ()
    %eq3A_18 = arith.constant 15 : i32
    %eq3A_19 = arith.cmpi eq, %arg1, %eq3A_18 : i32
    %convert_element_type3A_20 = arith.extui %eq3A_19 : i1 to i32
    %cond3A_21 = arith.constant 0 : i32
    %cond3A_22 = arith.cmpi ne, %convert_element_type3A_20, %cond3A_21 : i32
    scf.if %cond3A_22 {
      %mul3A_23 = arith.constant 10000 : i32
      %mul3A_24 = arith.muli %arg0, %mul3A_23 : i32
      %add3A_25 = arith.constant 9984 : i32
      %add3A_26 = arith.addi %mul3A_24, %add3A_25 : i32
      "tpu.region"() ({
        %run_scoped3A = tpu.sem_alloc : memref<!tpu.dma_semaphore, #tpu.memory_space<semaphore_mem>>
        %dma_start3A = arith.constant 0 : i32
        %dma_start3A_27 = tpu.memref_slice %arg7[%add3A_26, %dma_start3A] : memref<20000x128xf32, #tpu.memory_space<hbm>> -> memref<16x128xf32, #tpu.memory_space<hbm>>
        %dma_start3A_28 = arith.constant 9984 : i32
        %dma_start3A_29 = arith.constant 0 : i32
        %dma_start3A_30 = tpu.memref_slice %arg12[%dma_start3A_28, %dma_start3A_29] : memref<10000x128xf32, #tpu.memory_space<vmem_shared>> -> memref<16x128xf32, #tpu.memory_space<vmem_shared>>
        tpu.enqueue_dma source(%dma_start3A_30 : memref<16x128xf32, #tpu.memory_space<vmem_shared>>) target(%dma_start3A_27 : memref<16x128xf32, #tpu.memory_space<hbm>>) target_semaphore(%run_scoped3A : memref<!tpu.dma_semaphore, #tpu.memory_space<semaphore_mem>>)
        %dma_wait3A = arith.constant 0 : i32
        %dma_wait3A_31 = tpu.memref_slice %arg7[%add3A_26, %dma_wait3A] : memref<20000x128xf32, #tpu.memory_space<hbm>> -> memref<16x128xf32, #tpu.memory_space<hbm>>
        %dma_wait3A_32 = arith.constant 9984 : i32
        %dma_wait3A_33 = arith.constant 0 : i32
        %dma_wait3A_34 = tpu.memref_slice %arg12[%dma_wait3A_32, %dma_wait3A_33] : memref<10000x128xf32, #tpu.memory_space<vmem_shared>> -> memref<16x128xf32, #tpu.memory_space<vmem_shared>>
        tpu.wait_dma2 semaphore(%run_scoped3A : memref<!tpu.dma_semaphore, #tpu.memory_space<semaphore_mem>>) src(%dma_wait3A_34 : memref<16x128xf32, #tpu.memory_space<vmem_shared>>) dst(%dma_wait3A_31 : memref<16x128xf32, #tpu.memory_space<hbm>>)
        tpu.yield
      }) : () -> ()
    } else {
    }
    return
  }
}

module attributes {stable_mosaic.version = 14 : i64} {
  func.func @body(%arg0: i32, %arg1: memref<2000x16xf32, #tpu.memory_space<vmem>>, %arg2: memref<16x128xf32, #tpu.memory_space<vmem>>, %arg3: memref<1x128xf32, #tpu.memory_space<vmem>>, %arg4: memref<16x128xf32, #tpu.memory_space<vmem>>, %arg5: memref<1x128xf32, #tpu.memory_space<vmem>>, %arg6: memref<2000x128xf32, #tpu.memory_space<vmem>>, %arg7: memref<2000x128xf32, #tpu.memory_space<vmem>>) attributes {dimension_semantics = [#tpu.dimension_semantics<arbitrary>], iteration_bounds = array<i64: 160>, scalar_prefetch = 0 : i64, scratch_operands = 0 : i64, tpu.core_type = #tpu.core_type<tc>, window_params = [{transform_indices = @transform_0, window_bounds = array<i64: 2000, 16>}, {pipeline_mode = #tpu.pipeline_mode<synchronous>, transform_indices = @transform_1, window_bounds = array<i64: 16, 128>}, {pipeline_mode = #tpu.pipeline_mode<synchronous>, transform_indices = @transform_2, window_bounds = array<i64: 1, 128>}, {pipeline_mode = #tpu.pipeline_mode<synchronous>, transform_indices = @transform_3, window_bounds = array<i64: 16, 128>}, {pipeline_mode = #tpu.pipeline_mode<synchronous>, transform_indices = @transform_4, window_bounds = array<i64: 1, 128>}, {transform_indices = @transform_5, window_bounds = array<i64: 2000, 128>}, {transform_indices = @transform_6, window_bounds = array<i64: 2000, 128>}]} {
    %get3A = arith.constant 0 : index
    %get3A_0 = arith.constant 0 : index
    %get3A_1 = vector.load %arg1[%get3A, %get3A_0] : memref<2000x16xf32, #tpu.memory_space<vmem>>, vector<2000x16xf32>
    %get3A_2 = arith.constant 0 : index
    %get3A_3 = arith.constant 0 : index
    %get3A_4 = vector.load %arg2[%get3A_2, %get3A_3] : memref<16x128xf32, #tpu.memory_space<vmem>>, vector<16x128xf32>
    %dot_general3A = arith.constant dense<0.000000e+00> : vector<2000x128xf32>
    %dot_general3A_5 = tpu.matmul %get3A_1, %get3A_4, %dot_general3A {dimension_numbers = #tpu.dot_dimension_numbers<[1], [0], [0], [1], [0, 0, 1, 1], [], []>, transpose_lhs_hint = false} : vector<2000x16xf32>, vector<16x128xf32>, vector<2000x128xf32> -> vector<2000x128xf32>
    %get3A_6 = arith.constant 0 : index
    %get3A_7 = arith.constant 0 : index
    %get3A_8 = vector.load %arg3[%get3A_6, %get3A_7] : memref<1x128xf32, #tpu.memory_space<vmem>>, vector<1x128xf32>
    %add3A = vector.broadcast %get3A_8 : vector<1x128xf32> to vector<2000x128xf32>
    %add3A_9 = arith.addf %dot_general3A_5, %add3A : vector<2000x128xf32>
    %swap3A = arith.constant 0 : index
    %swap3A_10 = arith.constant 0 : index
    %swap3A_11 = vector.load %arg6[%swap3A, %swap3A_10] : memref<2000x128xf32, #tpu.memory_space<vmem>>, vector<2000x128xf32>
    tpu.vector_store %arg6[%swap3A, %swap3A_10], %add3A_9 {strides = array<i32>} : memref<2000x128xf32, #tpu.memory_space<vmem>>, vector<2000x128xf32>,
    %get3A_12 = arith.constant 0 : index
    %get3A_13 = arith.constant 0 : index
    %get3A_14 = vector.load %arg4[%get3A_12, %get3A_13] : memref<16x128xf32, #tpu.memory_space<vmem>>, vector<16x128xf32>
    %dot_general3A_15 = arith.constant dense<0.000000e+00> : vector<2000x128xf32>
    %dot_general3A_16 = tpu.matmul %get3A_1, %get3A_14, %dot_general3A_15 {dimension_numbers = #tpu.dot_dimension_numbers<[1], [0], [0], [1], [0, 0, 1, 1], [], []>, transpose_lhs_hint = false} : vector<2000x16xf32>, vector<16x128xf32>, vector<2000x128xf32> -> vector<2000x128xf32>
    %get3A_17 = arith.constant 0 : index
    %get3A_18 = arith.constant 0 : index
    %get3A_19 = vector.load %arg5[%get3A_17, %get3A_18] : memref<1x128xf32, #tpu.memory_space<vmem>>, vector<1x128xf32>
    %add3A_20 = vector.broadcast %get3A_19 : vector<1x128xf32> to vector<2000x128xf32>
    %add3A_21 = arith.addf %dot_general3A_16, %add3A_20 : vector<2000x128xf32>
    %swap3A_22 = arith.constant 0 : index
    %swap3A_23 = arith.constant 0 : index
    %swap3A_24 = vector.load %arg7[%swap3A_22, %swap3A_23] : memref<2000x128xf32, #tpu.memory_space<vmem>>, vector<2000x128xf32>
    tpu.vector_store %arg7[%swap3A_22, %swap3A_23], %add3A_21 {strides = array<i32>} : memref<2000x128xf32, #tpu.memory_space<vmem>>, vector<2000x128xf32>,
    return
  }
  func.func @transform_0(%arg0: i32) -> (i32, i32) {
    %c0_i32 = arith.constant 0 : i32
    %c0_i32_0 = arith.constant 0 : i32
    return %arg0, %c0_i32 : i32, i32
  }
  func.func @transform_1(%arg0: i32) -> (i32, i32) {
    %c0_i32 = arith.constant 0 : i32
    %c0_i32_0 = arith.constant 0 : i32
    %c0_i32_1 = arith.constant 0 : i32
    return %c0_i32, %c0_i32_0 : i32, i32
  }
  func.func @transform_2(%arg0: i32) -> (i32, i32) {
    %c0_i32 = arith.constant 0 : i32
    %c0_i32_0 = arith.constant 0 : i32
    %c0_i32_1 = arith.constant 0 : i32
    return %c0_i32, %c0_i32_0 : i32, i32
  }
  func.func @transform_3(%arg0: i32) -> (i32, i32) {
    %c0_i32 = arith.constant 0 : i32
    %c0_i32_0 = arith.constant 0 : i32
    %c0_i32_1 = arith.constant 0 : i32
    return %c0_i32, %c0_i32_0 : i32, i32
  }
  func.func @transform_4(%arg0: i32) -> (i32, i32) {
    %c0_i32 = arith.constant 0 : i32
    %c0_i32_0 = arith.constant 0 : i32
    %c0_i32_1 = arith.constant 0 : i32
    return %c0_i32, %c0_i32_0 : i32, i32
  }
  func.func @transform_5(%arg0: i32) -> (i32, i32) {
    %c0_i32 = arith.constant 0 : i32
    %c0_i32_0 = arith.constant 0 : i32
    return %arg0, %c0_i32 : i32, i32
  }
  func.func @transform_6(%arg0: i32) -> (i32, i32) {
    %c0_i32 = arith.constant 0 : i32
    %c0_i32_0 = arith.constant 0 : i32
    return %arg0, %c0_i32 : i32, i32
  }
}

module attributes {stable_mosaic.version = 14 : i64} {
  func.func @body(%arg0: i32, %arg1: memref<1000x128xf32, #tpu.memory_space<vmem>>, %arg2: memref<1000x128xf32, #tpu.memory_space<vmem>>, %arg3: memref<1000x128xf32, #tpu.memory_space<vmem>>, %arg4: memref<128x128xf32, #tpu.memory_space<vmem>>, %arg5: memref<1x128xf32, #tpu.memory_space<vmem>>, %arg6: memref<128x128xf32, #tpu.memory_space<vmem>>, %arg7: memref<1x128xf32, #tpu.memory_space<vmem>>, %arg8: memref<1000x128xf32, #tpu.memory_space<vmem>>) attributes {dimension_semantics = [#tpu.dimension_semantics<arbitrary>], iteration_bounds = array<i64: 10>, scalar_prefetch = 0 : i64, scratch_operands = 0 : i64, tpu.core_type = #tpu.core_type<tc>, window_params = [{transform_indices = @transform_0, window_bounds = array<i64: 1000, 128>}, {transform_indices = @transform_1, window_bounds = array<i64: 1000, 128>}, {transform_indices = @transform_2, window_bounds = array<i64: 1000, 128>}, {pipeline_mode = #tpu.pipeline_mode<synchronous>, transform_indices = @transform_3, window_bounds = array<i64: 128, 128>}, {pipeline_mode = #tpu.pipeline_mode<synchronous>, transform_indices = @transform_4, window_bounds = array<i64: 1, 128>}, {pipeline_mode = #tpu.pipeline_mode<synchronous>, transform_indices = @transform_5, window_bounds = array<i64: 128, 128>}, {pipeline_mode = #tpu.pipeline_mode<synchronous>, transform_indices = @transform_6, window_bounds = array<i64: 1, 128>}, {transform_indices = @transform_7, window_bounds = array<i64: 1000, 128>}]} {
    %get3A = arith.constant 0 : index
    %get3A_0 = arith.constant 0 : index
    %get3A_1 = vector.load %arg1[%get3A, %get3A_0] : memref<1000x128xf32, #tpu.memory_space<vmem>>, vector<1000x128xf32>
    %get3A_2 = arith.constant 0 : index
    %get3A_3 = arith.constant 0 : index
    %get3A_4 = vector.load %arg2[%get3A_2, %get3A_3] : memref<1000x128xf32, #tpu.memory_space<vmem>>, vector<1000x128xf32>
    %add3A = arith.addf %get3A_1, %get3A_4 : vector<1000x128xf32>
    %get3A_5 = arith.constant 0 : index
    %get3A_6 = arith.constant 0 : index
    %get3A_7 = vector.load %arg3[%get3A_5, %get3A_6] : memref<1000x128xf32, #tpu.memory_space<vmem>>, vector<1000x128xf32>
    %add3A_8 = arith.addf %add3A, %get3A_7 : vector<1000x128xf32>
    %get3A_9 = arith.constant 0 : index
    %get3A_10 = arith.constant 0 : index
    %get3A_11 = vector.load %arg4[%get3A_9, %get3A_10] : memref<128x128xf32, #tpu.memory_space<vmem>>, vector<128x128xf32>
    %dot_general3A = arith.constant dense<0.000000e+00> : vector<1000x128xf32>
    %dot_general3A_12 = tpu.matmul %add3A_8, %get3A_11, %dot_general3A {dimension_numbers = #tpu.dot_dimension_numbers<[1], [0], [0], [1], [0, 0, 1, 1], [], []>, transpose_lhs_hint = false} : vector<1000x128xf32>, vector<128x128xf32>, vector<1000x128xf32> -> vector<1000x128xf32>
    %get3A_13 = arith.constant 0 : index
    %get3A_14 = arith.constant 0 : index
    %get3A_15 = vector.load %arg5[%get3A_13, %get3A_14] : memref<1x128xf32, #tpu.memory_space<vmem>>, vector<1x128xf32>
    %add3A_16 = vector.broadcast %get3A_15 : vector<1x128xf32> to vector<1000x128xf32>
    %add3A_17 = arith.addf %dot_general3A_12, %add3A_16 : vector<1000x128xf32>
    %max3A = arith.constant 0.000000e+00 : f32
    %max3A_18 = vector.broadcast %max3A : f32 to vector<1000x128xf32>
    %max3A_19 = arith.maximumf %add3A_17, %max3A_18 : vector<1000x128xf32>
    %get3A_20 = arith.constant 0 : index
    %get3A_21 = arith.constant 0 : index
    %get3A_22 = vector.load %arg6[%get3A_20, %get3A_21] : memref<128x128xf32, #tpu.memory_space<vmem>>, vector<128x128xf32>
    %dot_general3A_23 = arith.constant dense<0.000000e+00> : vector<1000x128xf32>
    %dot_general3A_24 = tpu.matmul %max3A_19, %get3A_22, %dot_general3A_23 {dimension_numbers = #tpu.dot_dimension_numbers<[1], [0], [0], [1], [0, 0, 1, 1], [], []>, transpose_lhs_hint = false} : vector<1000x128xf32>, vector<128x128xf32>, vector<1000x128xf32> -> vector<1000x128xf32>
    %get3A_25 = arith.constant 0 : index
    %get3A_26 = arith.constant 0 : index
    %get3A_27 = vector.load %arg7[%get3A_25, %get3A_26] : memref<1x128xf32, #tpu.memory_space<vmem>>, vector<1x128xf32>
    %add3A_28 = vector.broadcast %get3A_27 : vector<1x128xf32> to vector<1000x128xf32>
    %add3A_29 = arith.addf %dot_general3A_24, %add3A_28 : vector<1000x128xf32>
    %max3A_30 = arith.constant 0.000000e+00 : f32
    %max3A_31 = vector.broadcast %max3A_30 : f32 to vector<1000x128xf32>
    %max3A_32 = arith.maximumf %add3A_29, %max3A_31 : vector<1000x128xf32>
    %swap3A = arith.constant 0 : index
    %swap3A_33 = arith.constant 0 : index
    %swap3A_34 = vector.load %arg8[%swap3A, %swap3A_33] : memref<1000x128xf32, #tpu.memory_space<vmem>>, vector<1000x128xf32>
    tpu.vector_store %arg8[%swap3A, %swap3A_33], %max3A_32 {strides = array<i32>} : memref<1000x128xf32, #tpu.memory_space<vmem>>, vector<1000x128xf32>,
    return
  }
  func.func @transform_0(%arg0: i32) -> (i32, i32) {
    %c0_i32 = arith.constant 0 : i32
    %c0_i32_0 = arith.constant 0 : i32
    return %arg0, %c0_i32 : i32, i32
  }
  func.func @transform_1(%arg0: i32) -> (i32, i32) {
    %c0_i32 = arith.constant 0 : i32
    %c0_i32_0 = arith.constant 0 : i32
    return %arg0, %c0_i32 : i32, i32
  }
  func.func @transform_2(%arg0: i32) -> (i32, i32) {
    %add3A = arith.constant 10 : i32
    %add3A_0 = arith.addi %arg0, %add3A : i32
    %c0_i32 = arith.constant 0 : i32
    %c0_i32_1 = arith.constant 0 : i32
    return %add3A_0, %c0_i32 : i32, i32
  }
  func.func @transform_3(%arg0: i32) -> (i32, i32) {
    %c0_i32 = arith.constant 0 : i32
    %c0_i32_0 = arith.constant 0 : i32
    %c0_i32_1 = arith.constant 0 : i32
    return %c0_i32, %c0_i32_0 : i32, i32
  }
  func.func @transform_4(%arg0: i32) -> (i32, i32) {
    %c0_i32 = arith.constant 0 : i32
    %c0_i32_0 = arith.constant 0 : i32
    %c0_i32_1 = arith.constant 0 : i32
    return %c0_i32, %c0_i32_0 : i32, i32
  }
  func.func @transform_5(%arg0: i32) -> (i32, i32) {
    %c0_i32 = arith.constant 0 : i32
    %c0_i32_0 = arith.constant 0 : i32
    %c0_i32_1 = arith.constant 0 : i32
    return %c0_i32, %c0_i32_0 : i32, i32
  }
  func.func @transform_6(%arg0: i32) -> (i32, i32) {
    %c0_i32 = arith.constant 0 : i32
    %c0_i32_0 = arith.constant 0 : i32
    %c0_i32_1 = arith.constant 0 : i32
    return %c0_i32, %c0_i32_0 : i32, i32
  }
  func.func @transform_7(%arg0: i32) -> (i32, i32) {
    %c0_i32 = arith.constant 0 : i32
    %c0_i32_0 = arith.constant 0 : i32
    return %arg0, %c0_i32 : i32, i32
  }
}

module attributes {stable_mosaic.version = 14 : i64} {
  func.func @body(%arg0: i32, %arg1: memref<1000x128xf32, #tpu.memory_space<vmem>>, %arg2: memref<1000x1xi32, #tpu.memory_space<vmem>>, %arg3: memref<128x64xf32, #tpu.memory_space<vmem>>, %arg4: memref<1x64xf32, #tpu.memory_space<vmem>>, %arg5: memref<64x128xf32, #tpu.memory_space<vmem>>, %arg6: memref<1x128xf32, #tpu.memory_space<vmem>>, %arg7: memref<64x128xf32, #tpu.memory_space<vmem>>, %arg8: memref<64x128xf32, #tpu.memory_space<vmem>>, %arg9: memref<64x1xf32, #tpu.memory_space<vmem>>) attributes {dimension_semantics = [#tpu.dimension_semantics<arbitrary>], iteration_bounds = array<i64: 10>, scalar_prefetch = 0 : i64, scratch_operands = 2 : i64, tpu.core_type = #tpu.core_type<tc>, window_params = [{transform_indices = @transform_0, window_bounds = array<i64: 1000, 128>}, {transform_indices = @transform_1, window_bounds = array<i64: 1000, 1>}, {pipeline_mode = #tpu.pipeline_mode<synchronous>, transform_indices = @transform_2, window_bounds = array<i64: 128, 64>}, {pipeline_mode = #tpu.pipeline_mode<synchronous>, transform_indices = @transform_3, window_bounds = array<i64: 1, 64>}, {pipeline_mode = #tpu.pipeline_mode<synchronous>, transform_indices = @transform_4, window_bounds = array<i64: 64, 128>}, {pipeline_mode = #tpu.pipeline_mode<synchronous>, transform_indices = @transform_5, window_bounds = array<i64: 1, 128>}, {pipeline_mode = #tpu.pipeline_mode<synchronous>, transform_indices = @transform_6, window_bounds = array<i64: 64, 128>}]} {
    %eq3A = arith.constant 0 : i32
    %eq3A_0 = arith.cmpi eq, %arg0, %eq3A : i32
    %convert_element_type3A = arith.extui %eq3A_0 : i1 to i32
    %cond3A = arith.constant 0 : i32
    %cond3A_1 = arith.cmpi ne, %convert_element_type3A, %cond3A : i32
    scf.if %cond3A_1 {
      %broadcast_in_dim3A_33 = arith.constant 0.000000e+00 : f32
      %broadcast_in_dim3A_34 = vector.broadcast %broadcast_in_dim3A_33 : f32 to vector<64x128xf32>
      %swap3A_35 = arith.constant 0 : index
      %swap3A_36 = arith.constant 0 : index
      %swap3A_37 = vector.load %arg8[%swap3A_35, %swap3A_36] : memref<64x128xf32, #tpu.memory_space<vmem>>, vector<64x128xf32>
      tpu.vector_store %arg8[%swap3A_35, %swap3A_36], %broadcast_in_dim3A_34 {strides = array<i32>} : memref<64x128xf32, #tpu.memory_space<vmem>>, vector<64x128xf32>,
      %broadcast_in_dim3A_38 = arith.constant 0.000000e+00 : f32
      %broadcast_in_dim3A_39 = vector.broadcast %broadcast_in_dim3A_38 : f32 to vector<64x1xf32>
      %swap3A_40 = arith.constant 0 : index
      %swap3A_41 = arith.constant 0 : index
      %swap3A_42 = vector.load %arg9[%swap3A_40, %swap3A_41] : memref<64x1xf32, #tpu.memory_space<vmem>>, vector<64x1xf32>
      tpu.vector_store %arg9[%swap3A_40, %swap3A_41], %broadcast_in_dim3A_39 {strides = array<i32>} : memref<64x1xf32, #tpu.memory_space<vmem>>, vector<64x1xf32>,
    } else {
    }
    %get3A = arith.constant 0 : index
    %get3A_2 = arith.constant 0 : index
    %get3A_3 = vector.load %arg2[%get3A, %get3A_2] : memref<1000x1xi32, #tpu.memory_space<vmem>>, vector<1000x1xi32>
    %iota3A = tpu.iota {dimensions = array<i32: 1>} : vector<1x64xi32>
    %eq3A_4 = vector.broadcast %get3A_3 : vector<1000x1xi32> to vector<1000x64xi32>
    %eq3A_5 = vector.broadcast %iota3A : vector<1x64xi32> to vector<1000x64xi32>
    %eq3A_6 = arith.cmpi eq, %eq3A_4, %eq3A_5 : vector<1000x64xi32>
    %convert_element_type3A_7 = arith.extui %eq3A_6 : vector<1000x64xi1> to vector<1000x64xi32>
    %convert_element_type3A_8 = arith.sitofp %convert_element_type3A_7 : vector<1000x64xi32> to vector<1000x64xf32>
    %get3A_9 = arith.constant 0 : index
    %get3A_10 = arith.constant 0 : index
    %get3A_11 = vector.load %arg1[%get3A_9, %get3A_10] : memref<1000x128xf32, #tpu.memory_space<vmem>>, vector<1000x128xf32>
    %get3A_12 = arith.constant 0 : index
    %get3A_13 = arith.constant 0 : index
    %get3A_14 = vector.load %arg8[%get3A_12, %get3A_13] : memref<64x128xf32, #tpu.memory_space<vmem>>, vector<64x128xf32>
    %dot_general3A = arith.constant dense<0.000000e+00> : vector<64x128xf32>
    %dot_general3A_15 = tpu.matmul %convert_element_type3A_8, %get3A_11, %dot_general3A {dimension_numbers = #tpu.dot_dimension_numbers<[0], [0], [1], [1], [0, 1, 1, 1], [], []>, transpose_lhs_hint = false} : vector<1000x64xf32>, vector<1000x128xf32>, vector<64x128xf32> -> vector<64x128xf32>
    %add3A = arith.addf %get3A_14, %dot_general3A_15 : vector<64x128xf32>
    %swap3A = arith.constant 0 : index
    %swap3A_16 = arith.constant 0 : index
    %swap3A_17 = vector.load %arg8[%swap3A, %swap3A_16] : memref<64x128xf32, #tpu.memory_space<vmem>>, vector<64x128xf32>
    tpu.vector_store %arg8[%swap3A, %swap3A_16], %add3A {strides = array<i32>} : memref<64x128xf32, #tpu.memory_space<vmem>>, vector<64x128xf32>,
    %get3A_18 = arith.constant 0 : index
    %get3A_19 = arith.constant 0 : index
    %get3A_20 = vector.load %arg9[%get3A_18, %get3A_19] : memref<64x1xf32, #tpu.memory_space<vmem>>, vector<64x1xf32>
    %broadcast_in_dim3A = arith.constant 1.000000e+00 : f32
    %broadcast_in_dim3A_21 = vector.broadcast %broadcast_in_dim3A : f32 to vector<1000x1xf32>
    %dot_general3A_22 = arith.constant dense<0.000000e+00> : vector<64x1xf32>
    %dot_general3A_23 = tpu.matmul %convert_element_type3A_8, %broadcast_in_dim3A_21, %dot_general3A_22 {dimension_numbers = #tpu.dot_dimension_numbers<[0], [0], [1], [1], [0, 1, 1, 1], [], []>, transpose_lhs_hint = false} : vector<1000x64xf32>, vector<1000x1xf32>, vector<64x1xf32> -> vector<64x1xf32>
    %add3A_24 = arith.addf %get3A_20, %dot_general3A_23 : vector<64x1xf32>
    %swap3A_25 = arith.constant 0 : index
    %swap3A_26 = arith.constant 0 : index
    %swap3A_27 = vector.load %arg9[%swap3A_25, %swap3A_26] : memref<64x1xf32, #tpu.memory_space<vmem>>, vector<64x1xf32>
    tpu.vector_store %arg9[%swap3A_25, %swap3A_26], %add3A_24 {strides = array<i32>} : memref<64x1xf32, #tpu.memory_space<vmem>>, vector<64x1xf32>,
    %eq3A_28 = arith.constant 9 : i32
    %eq3A_29 = arith.cmpi eq, %arg0, %eq3A_28 : i32
    %convert_element_type3A_30 = arith.extui %eq3A_29 : i1 to i32
    %cond3A_31 = arith.constant 0 : i32
    %cond3A_32 = arith.cmpi ne, %convert_element_type3A_30, %cond3A_31 : i32
    scf.if %cond3A_32 {
      %get3A_33 = arith.constant 0 : index
      %get3A_34 = arith.constant 0 : index
      %get3A_35 = vector.load %arg8[%get3A_33, %get3A_34] : memref<64x128xf32, #tpu.memory_space<vmem>>, vector<64x128xf32>
      %get3A_36 = arith.constant 0 : index
      %get3A_37 = arith.constant 0 : index
      %get3A_38 = vector.load %arg9[%get3A_36, %get3A_37] : memref<64x1xf32, #tpu.memory_space<vmem>>, vector<64x1xf32>
      %max3A = arith.constant 1.000000e+00 : f32
      %max3A_39 = vector.broadcast %max3A : f32 to vector<64x1xf32>
      %max3A_40 = arith.maximumf %get3A_38, %max3A_39 : vector<64x1xf32>
      %div3A = vector.broadcast %max3A_40 : vector<64x1xf32> to vector<64x128xf32>
      %div3A_41 = arith.divf %get3A_35, %div3A : vector<64x128xf32>
      %get3A_42 = arith.constant 0 : index
      %get3A_43 = arith.constant 0 : index
      %get3A_44 = vector.load %arg3[%get3A_42, %get3A_43] : memref<128x64xf32, #tpu.memory_space<vmem>>, vector<128x64xf32>
      %dot_general3A_45 = arith.constant dense<0.000000e+00> : vector<64x64xf32>
      %dot_general3A_46 = tpu.matmul %div3A_41, %get3A_44, %dot_general3A_45 {dimension_numbers = #tpu.dot_dimension_numbers<[1], [0], [0], [1], [0, 0, 1, 1], [], []>, transpose_lhs_hint = false} : vector<64x128xf32>, vector<128x64xf32>, vector<64x64xf32> -> vector<64x64xf32>
      %get3A_47 = arith.constant 0 : index
      %get3A_48 = arith.constant 0 : index
      %get3A_49 = vector.load %arg4[%get3A_47, %get3A_48] : memref<1x64xf32, #tpu.memory_space<vmem>>, vector<1x64xf32>
      %add3A_50 = vector.broadcast %get3A_49 : vector<1x64xf32> to vector<64x64xf32>
      %add3A_51 = arith.addf %dot_general3A_46, %add3A_50 : vector<64x64xf32>
      %max3A_52 = arith.constant 0.000000e+00 : f32
      %max3A_53 = vector.broadcast %max3A_52 : f32 to vector<64x64xf32>
      %max3A_54 = arith.maximumf %add3A_51, %max3A_53 : vector<64x64xf32>
      %get3A_55 = arith.constant 0 : index
      %get3A_56 = arith.constant 0 : index
      %get3A_57 = vector.load %arg5[%get3A_55, %get3A_56] : memref<64x128xf32, #tpu.memory_space<vmem>>, vector<64x128xf32>
      %dot_general3A_58 = arith.constant dense<0.000000e+00> : vector<64x128xf32>
      %dot_general3A_59 = tpu.matmul %max3A_54, %get3A_57, %dot_general3A_58 {dimension_numbers = #tpu.dot_dimension_numbers<[1], [0], [0], [1], [0, 0, 1, 1], [], []>, transpose_lhs_hint = false} : vector<64x64xf32>, vector<64x128xf32>, vector<64x128xf32> -> vector<64x128xf32>
      %get3A_60 = arith.constant 0 : index
      %get3A_61 = arith.constant 0 : index
      %get3A_62 = vector.load %arg6[%get3A_60, %get3A_61] : memref<1x128xf32, #tpu.memory_space<vmem>>, vector<1x128xf32>
      %add3A_63 = vector.broadcast %get3A_62 : vector<1x128xf32> to vector<64x128xf32>
      %add3A_64 = arith.addf %dot_general3A_59, %add3A_63 : vector<64x128xf32>
      %swap3A_65 = arith.constant 0 : index
      %swap3A_66 = arith.constant 0 : index
      %swap3A_67 = vector.load %arg7[%swap3A_65, %swap3A_66] : memref<64x128xf32, #tpu.memory_space<vmem>>, vector<64x128xf32>
      tpu.vector_store %arg7[%swap3A_65, %swap3A_66], %add3A_64 {strides = array<i32>} : memref<64x128xf32, #tpu.memory_space<vmem>>, vector<64x128xf32>,
    } else {
    }
    return
  }
  func.func @transform_0(%arg0: i32) -> (i32, i32) {
    %c0_i32 = arith.constant 0 : i32
    %c0_i32_0 = arith.constant 0 : i32
    return %arg0, %c0_i32 : i32, i32
  }
  func.func @transform_1(%arg0: i32) -> (i32, i32) {
    %c0_i32 = arith.constant 0 : i32
    %c0_i32_0 = arith.constant 0 : i32
    return %arg0, %c0_i32 : i32, i32
  }
  func.func @transform_2(%arg0: i32) -> (i32, i32) {
    %c0_i32 = arith.constant 0 : i32
    %c0_i32_0 = arith.constant 0 : i32
    %c0_i32_1 = arith.constant 0 : i32
    return %c0_i32, %c0_i32_0 : i32, i32
  }
  func.func @transform_3(%arg0: i32) -> (i32, i32) {
    %c0_i32 = arith.constant 0 : i32
    %c0_i32_0 = arith.constant 0 : i32
    %c0_i32_1 = arith.constant 0 : i32
    return %c0_i32, %c0_i32_0 : i32, i32
  }
  func.func @transform_4(%arg0: i32) -> (i32, i32) {
    %c0_i32 = arith.constant 0 : i32
    %c0_i32_0 = arith.constant 0 : i32
    %c0_i32_1 = arith.constant 0 : i32
    return %c0_i32, %c0_i32_0 : i32, i32
  }
  func.func @transform_5(%arg0: i32) -> (i32, i32) {
    %c0_i32 = arith.constant 0 : i32
    %c0_i32_0 = arith.constant 0 : i32
    %c0_i32_1 = arith.constant 0 : i32
    return %c0_i32, %c0_i32_0 : i32, i32
  }
  func.func @transform_6(%arg0: i32) -> (i32, i32) {
    %c0_i32 = arith.constant 0 : i32
    %c0_i32_0 = arith.constant 0 : i32
    %c0_i32_1 = arith.constant 0 : i32
    return %c0_i32, %c0_i32_0 : i32, i32
  }
}

</mosaic_0001>

<sc_bundles>
// kernel: kernel.11.cloned.1.call-start
scs
__scs_entry_jumppad:
0x0: {  	(pc) =	sbr.rel $0x88, $3  }
0x1: {  	(tag) =	ssettag $0x0;
	lr =	simm.s32 $0x1  }
0x2: {  	[smem:$0x3F89] =	sst lr;
	_ =	strace $0xD0000000  }
0x3: {  	_ = 	snop  }
0x4: {  	_ = 	snop  }
0x5: {  	_ = 	snop  }
0x6: {  	_ = 	snop  }
0x7: {  	_ = 	snop  }
__scs_overlays_trampoline_lowered:
0x8: {  	[smem:$0x3F98] =	sst s0  }
0x9: {  	[smem:$0x3F99] =	sst s1  }
0xa: {  	[smem:$0x3F9A] =	sst s2  }
0xb: {  	[smem:$0x3F9B] =	sst s3  }
0xc: {  	[smem:$0x3F9C] =	sst s4  }
0xd: {  	[smem:$0x3F9D] =	sst s5  }
0xe: {  	[smem:$0x3F9E] =	sst s6  }
0xf: {  	[smem:$0x3F9F] =	sst s7  }
0x10: {  	[smem:$0x3FA0] =	sst s8  }
0x11: {  	[smem:$0x3FA1] =	sst s9;
	s0 =	simm.s32 @!p0 $0x0  }
0x12: {  	s1 =	sld [smem:$0x3F87];
	s0 =	simm.s32 @p0 $0x1  }
0x13: {  	[smem:$0x3FA2] =	sst s0;
	s0 =	simm.s32 @!p1 $0x0  }
0x14: {  	s2 =	sld [smem:$0x3F86];
	s0 =	simm.s32 @p1 $0x1  }
0x15: {  	[smem:$0x3FA3] =	sst s0;
	s0 =	simm.s32 @!p2 $0x0  }
0x16: {  	s3 =	sld [smem:$0x3FDB];
	s0 =	simm.s32 @p2 $0x1  }
0x17: {  	s4 =	simm.s32 $0x1BF5;
	[smem:$0x3FA5] =	sst s0  }
0x18: {  	s0 =	sld [smem:$0x3F88];
	_ =	swait.ge [sflag:s4], $0x0  }
0x19: {  	s7 =	sld [smem:$0x3F89]  }
0x1a: {  	s8 =	sadd.s32 $0xFFFFE003, lr  }
0x1b: {  	s9 =	sadd.s32 $0xFFFFFEF7, lr;
	s5 =	simm.s32 $0xFFFFFFFF;
	p2 =	slt.u32 s8, $0xFFFFF086  }
0x1c: {  	p1 =	slt.u32 s9, $0xF7A;
	s5 =	simm.s32 @!p2 $0x0  }
0x1d: {  	s5 =	simm.s32 @p1 $0x1;
	p0 =	seq.s32 s7, s2  }
0x1e: {  	s7 =	smul.u32 @!p0 $0xF7A, s2;
	p2 =	seq.s32 @!p0 s5, $0x0  }
0x1f: {  	s9 =	smul.u32 $0xF7A, s1;
	s8 =	simm.s32 @!p0 $0x1BF5;
	p2 =	por !p2, p0  }
0x20: {  	[sflag:s8] =	ssyncset.s32 @!p0 $0xFFFFF086;
	s6 =	sadd.s32 @!p0 s3, s7;
	s7 =	simm.s32 @!p0 $0x108  }
0x21: {  	s3 =	sadd.s32 s3, s9;
	s6 =	sadd.s32 @!p0 $0x88, s6;
	s7 =	simm.s32 @p2 $0x1082  }
0x22: {  	[simem:s7], [sflag:s8] =	dma.local @!p0 [hbm:s6], $0xF7A  }
0x23: {  	s9 =	sor.u32 $0xD0000000, s2;
	s6 =	simm.s32 $0x108;
	_ =	swait.ge @!p0 [sflag:s8], $0x0  }
0x24: {  	s3 =	sadd.s32 $0x88, s3;
	s6 =	simm.s32 @!p1 $0x1082;
	[sflag:s4] =	ssyncset.s32 $0xFFFFF086  }
0x25: {  	[simem:s6], [sflag:s4] =	dma.local [hbm:s3], $0xF7A  }
0x26: {  	[smem:$0x3F89] =	sst s1;
	(tag) =	ssettag s2;
	_ =	strace s9  }
0x27: {  	s1 =	sld [smem:$0x3F99]  }
0x28: {  	s2 =	sld [smem:$0x3F9A]  }
0x29: {  	s4 =	sld [smem:$0x3F9C]  }
0x2a: {  	p0 =	seq.s32 s5, $0x0;
	s5 =	sld [smem:$0x3F9D]  }
0x2b: {  	s6 =	sld [smem:$0x3F9E]  }
0x2c: {  	s7 =	sld [smem:$0x3F9F]  }
0x2d: {  	s3 =	simm.s32 $0x108;
	s8 =	sld [smem:$0x3FA0]  }
0x2e: {  	s3 =	simm.s32 @!p0 $0x1082;
	s9 =	sld [smem:$0x3FA1]  }
0x2f: {  	lr =	sadd.s32 s0, s3;
	s0 =	sld [smem:$0x3F98]  }
0x30: {  	s3 =	sld [smem:$0x3F9B]  }
0x31: {  	[smem:$0x3FA4] =	sst s10  }
0x32: {  	s10 =	sld [smem:$0x3FA2];
	_ =	sdelay $0x3  }
0x33: {  	p0 =	seq.s32 s10, $0x1;
	s10 =	sld [smem:$0x3FA4];
	_ =	sdelay $0x3  }
0x34: {  	[smem:$0x3FA4] =	sst s10  }
0x35: {  	s10 =	sld [smem:$0x3FA3];
	_ =	sdelay $0x3  }
0x36: {  	p1 =	seq.s32 s10, $0x1;
	s10 =	sld [smem:$0x3FA4];
	_ =	sdelay $0x3  }
0x37: {  	[smem:$0x3FA4] =	sst s10  }
0x38: {  	s10 =	sld [smem:$0x3FA5]  }
0x39: {  	_ = 	snop;
	(pc) =	sbr.ind lr, $3  }
0x3a: {  	_ = 	snop  }
0x3b: {  	_ = 	snop  }
0x3c: {  	p2 =	seq.s32 s10, $0x1;
	s10 =	sld [smem:$0x3FA4]  }
0x3d: {  	_ =	shalt  }
0x3e: {  	_ =	shalt  }
0x3f: {  	_ =	shalt  }
0x40: {  	_ =	shalt  }
0x41: {  	_ =	shalt  }
0x42: {  	_ =	shalt  }
0x43: {  	_ =	shalt  }
0x44: {  	_ =	shalt  }
0x45: {  	_ =	shalt  }
0x46: {  	_ =	shalt  }
0x47: {  	_ =	shalt  }
0x48: {  	_ =	shalt  }
0x49: {  	_ =	shalt  }
0x4a: {  	_ =	shalt  }
0x4b: {  	_ =	shalt  }
0x4c: {  	_ =	shalt  }
0x4d: {  	_ =	shalt  }
0x4e: {  	_ =	shalt  }
0x4f: {  	_ =	shalt  }
0x50: {  	_ =	shalt  }
0x51: {  	_ =	shalt  }
0x52: {  	_ =	shalt  }
0x53: {  	_ =	shalt  }
0x54: {  	_ =	shalt  }
0x55: {  	_ =	shalt  }
0x56: {  	_ =	shalt  }
0x57: {  	_ =	shalt  }
0x58: {  	_ =	shalt  }
0x59: {  	_ =	shalt  }
0x5a: {  	_ =	shalt  }
0x5b: {  	_ =	shalt  }
0x5c: {  	_ =	shalt  }
0x5d: {  	_ =	shalt  }
0x5e: {  	_ =	shalt  }
0x5f: {  	_ =	shalt  }
0x60: {  	_ =	shalt  }
0x61: {  	_ =	shalt  }
0x62: {  	_ =	shalt  }
0x63: {  	_ =	shalt  }
0x64: {  	_ =	shalt  }
0x65: {  	_ =	shalt  }
0x66: {  	_ =	shalt  }
0x67: {  	_ =	shalt  }
0x68: {  	_ =	shalt  }
0x69: {  	_ =	shalt  }
0x6a: {  	_ =	shalt  }
0x6b: {  	_ =	shalt  }
0x6c: {  	_ =	shalt  }
0x6d: {  	_ =	shalt  }
0x6e: {  	_ =	shalt  }
0x6f: {  	_ =	shalt  }
0x70: {  	_ =	shalt  }
0x71: {  	_ =	shalt  }
0x72: {  	_ =	shalt  }
0x73: {  	_ =	shalt  }
0x74: {  	_ =	shalt  }
0x75: {  	_ =	shalt  }
0x76: {  	_ =	shalt  }
0x77: {  	_ =	shalt  }
0x78: {  	_ =	shalt  }
0x79: {  	_ =	shalt  }
0x7a: {  	_ =	shalt  }
0x7b: {  	_ =	shalt  }
0x7c: {  	_ =	shalt  }
0x7d: {  	_ =	shalt  }
0x7e: {  	_ =	shalt  }
0x7f: {  	_ =	shalt  }
0x80: {  	_ =	shalt  }
0x81: {  	_ =	shalt  }
0x82: {  	_ =	shalt  }
0x83: {  	_ =	shalt  }
0x84: {  	_ =	shalt  }
0x85: {  	_ =	shalt  }
0x86: {  	_ =	shalt  }
0x87: {  	_ =	shalt  }
.Lfunc_end0:
.L_simem_size_0:
called_computation.1_lowered:
.L_overlay_start_0:
0x88: {  	s2 =	sld [smem:$0x3FD9]  }
0x89: {  	s3 =	sld [smem:$0x3FFE];
	_ =	sdelay $0x1  }
0x8a: {  	s1 =	srdreg.scid  }
0x8b: {  	s0 =	sand.u32 $0x1, s1  }
0x8c: {  	s16 =	sshll.u32 s0, $0xA;
	s2 =	sadd.s32 s3, s2  }
0x8d: {  	s2 =	sadd.s32 s2, s16  }
0x8e: {  	[smem:$0x3FB0] =	sst s2  }
0x8f: {  	_ = 	snop  }
0x90: {  	(tm) =	ssettm $0x1  }
0x91: {  	s17 =	sld [smem:$0x3FFB];
	_ =	sdelay $0x3  }
0x92: {  	_ =	strace s17  }
0x93: {  	s2 =	sld [smem:$0x3FFC];
	_ =	sdelay $0x3  }
0x94: {  	_ =	strace s2  }
0x95: {  	s2 =	sld [smem:$0x3FFD];
	_ =	sdelay $0x3  }
0x96: {  	_ =	strace s2  }
0x97: {  	_ =	strace $0x8FFFFFFF  }
0x98: {  	s18 =	sld [smem:$0x3FDB];
	_ =	sdelay $0x1  }
0x99: {  	s19 =	simm.s32 $_scs_section_size  }
0x9a: {  	s4 =	simm.s32 $_size__tile_overlayer_lowered;
	s5 =	simm.s32 $_tile_overlayer_lowered  }
0x9b: {  	s22 =	simm.s32 $0x1BFF;
	s21 =	sshll.u32 s5, $0x1;
	s2 =	sadd.s32 s19, s18  }
0x9c: {  	s6 =	simm.s32 $0x0;
	s20 =	sshll.u32 s4, $0x1;
	s4 =	sadd.s32 s21, s2  }
0x9d: {  	[timem:s6], [sflag:s22] =	dma.local [hbm:s4], s20  }
0x9e: {  	_ =	swait.ge [sflag:s22], s20  }
0x9f: {  	s3 =	ssub.s32 $0x0, s20;
	[sflag:s22] =	ssyncset.done $0x0  }
0xa0: {  	[sflag:s22] =	ssyncadd.s32 s3;
	_ =	sdelay $0x1  }
0xa1: {  	s23 =	simm.s32 $0x1B8B  }
0xa2: {  	_ =	swait.ge [sflag:s23], $0x1  }
0xa3: {  	[sflag:s23] =	ssyncset.done $0x0  }
0xa4: {  	s25 =	simm.s32 $0x1B8E;
	s24 =	sld [smem:$0x3FFE];
	[sflag:s23] =	ssyncadd.s32 $0xFFFFFFFF  }
0xa5: {  	s26 =	simm.s32 $execute0_lowered;
	[smem:$0x3FD2] =	sst s25  }
0xa6: {  	s4 =	sshll.u32 s26, $0x1;
	_ =	strace $0x80000049;
	[dreg:$0x1] =	wrdreg $0xFFFFFFFF  }
0xa7: {  	s28 =	simm.s32 $_size_execute0_lowered;
	s2 =	sadd.s32 s2, s4;
	[dreg:$0x0] =	wrdreg $0x0  }
0xa8: {  	s4 =	sshll.u32 s28, $0x1;
	[dreg:$0x2] =	wrdreg s2  }
0xa9: {  	[dreg:$0x3] =	wrdreg s4  }
0xaa: {  	[dreg:$0x4] =	wrdreg $0xC0  }
0xab: {  	_ =	task [dreg:s6], $0x5FFFF  }
0xac: {  	[dreg:$0x1] =	wrdreg $0xFFFFFFFF  }
0xad: {  	[dreg:$0x0] =	wrdreg $0x60  }
0xae: {  	[dreg:$0x2] =	wrdreg s24  }
0xaf: {  	[dreg:$0x3] =	wrdreg $0x81000  }
0xb0: {  	[dreg:$0x4] =	wrdreg $0x9  }
0xb1: {  	_ =	task.clear_ibuf [dreg:s6], $0x5FFFF;
	_ =	strace $0x90000049  }
0xb2: {  	s29 =	simm.s32 $0x9;
	_ =	strace $0x8000004B  }
0xb3: {  	_ =	swait.ge [sflag:s29], $0x1  }
0xb4: {  	[sflag:s29] =	ssyncadd.s32 $0xFFFFFFFF  }
0xb5: {  	_ =	strace $0x9000004B  }
0xb6: {  	_ =	sfence  }
0xb7: {  	s30 =	sld [smem:$0x0];
	_ =	sdelay $0x2  }
0xb8: {  	s31 =	sshll.u32 s1, $0xD;
	s1 =	sshrl.u32 s1, $0x2  }
0xb9: {  	s3 =	sand.u32 $0x4000, s31;
	s1 =	sadd.s32 s1, s30  }
0xba: {  	s0 =	sor.u32 s3, s0;
	s1 =	sshll.u32 s1, $0x11  }
0xbb: {  	s0 =	sor.u32 s1, s0  }
0xbc: {  	s0 =	sadd.s32 $0x8F2B, s0  }
0xbd: {  	[sflag:s0] =	ssyncadd.remote.s32 $0x1  }
0xbe: {  	_ =	sfence.sel $0xFFFF  }
0xbf: {  	[dreg:$0x0] =	wrdreg $0xFFFFFFFF;
	(pc) =	sbr.abs _section_cstart, $3  }
0xc0: {  	[dreg:$0x1] =	wrdreg $0xFFFFFFFF  }
0xc1: {  	_ =	task.clear_ibuf [dreg:s6], $0x2FFFF;
	_ =	strace $0x9FFFFFFF  }
0xc2: {  	(tm) =	ssettm $0x7FFFFFFF  }
0xc3: {  	_ =	shalt  }
tec
execute0_lowered:
.L_overlay_start_1:
0x0: {  	(tag) =	ssettag $0x1  }
0x1: {  	s10 =	rddreg [dreg:$0x0]  }
0x2: {  	s1 =	rddreg [dreg:$0x1]  }
0x3: {  	s0 =	rddreg [dreg:$0x2]  }
0x4: {  	s2 =	simm.s32 $0x0;
	s5 =	srdreg.scid;
	s20 =	simm.s32 $0x4100  }
0x5: {  	s21 =	simm.s32 $0x100;
	s22 =	simm.s32 $0x1;
	s28 =	simm.s32 $0x0  }
0x6: {  	[smem:$0x7FF] =	sst s2;
	s3 =	sadd.s32 $0x4800, s10;
	s4 =	sadd.s32 $0x9D9C00, s10  }
0x7: {  	s6 =	sadd.s32 $0x4EDE00, s10;
	s7 =	sadd.s32 $0x4E4000, s10;
	s8 =	sand.u32 $0x1, s5  }
0x8: {  	s5 =	stileid.u32;
	s9 =	sadd.s32 $0x2000, s10;
	s13 =	sadd.s32 $0x2BA00, s10  }
0x9: {  	s19 =	sadd.s32 $0x138000, s1;
	_ =	strace $0x8000004A;
	s12 =	smul.u32 $0x2700, s5  }
0xa: {  	s11 =	ssub.s32 $0x2, s8;
	s14 =	smul.u32 $0x4E000, s5;
	s10 =	sshll.u32 s5, $0x1  }
0xb: {  	s16 =	smul.u32 $0x138800, s8;
	s30 =	sshll.u32 s5, $0x6;
	s26 =	sshrl.u32 s11, $0x1  }
0xc: {  	s17 =	smul.u32 $0x27100, s8;
	p0 =	sne.s32 s5, $0xF;
	s15 =	ssub.s32 s11, s26  }
.Ltmp0:
0xd: {  	s29 =	sshrl.u32 s14, $0x2;
	s11 =	sor.u32 $0x1C02, s30;
	(pc) =	sbr.rel .LBB2_1-.Ltmp0, $4  }
0xe: {  	s31 =	sshrl.u32 s16, $0x3;
	s12 =	sadd.s32 s12, s17;
	s16 =	simm.s32 $0x2  }
0xf: {  	s17 =	sshrl.u32 @!p0 s19, $0x3;
	s19 =	simm.s32 $0x80;
	s14 =	sadd.s32 s13, s31  }
0x10: {  	s18 =	sadd.s32 s29, s1;
	s12 =	sadd.s32 s13, s12;
	s13 =	sadd.s32 $0x27000, s14  }
0x11: {  	s14 =	smax.u32 s15, $0x1;
	s15 =	sshrl.u32 s18, $0x3;
	s18 =	simm.s32 $0x3  }
.LBB2_7:
0x12: {  	[bflag:$0x0] =	sbarrier.arrive $0xFFFF  }
0x13: {  	[hbm:s12], [sflag:s11] =	dma.local [spmem:s15], $0x2700  }
0x14: {  	s2 =	sadd.s32 $0x1, s2;
	_ =	swait.ge [sflag:s16], $0x2700  }
0x15: {  	p1 =	sne.s32 s2, s14;
	[sflag:s16] =	ssyncset.done $0x0  }
.Ltmp1:
0x16: {  	s23 =	simm.s32 @!p0 $0x2;
	[sflag:s16] =	ssyncadd.s32 $0xFFFFD900;
	(pc) =	sbr.rel @!p1 .LBB2_8-.Ltmp1, $4  }
0x17: {  	[hbm:s13], [sflag:s11] =	dma.local @!p0 [spmem:s17], $0x100  }
0x18: {  	_ =	swait.ge @!p0 [sflag:s23], $0x100  }
0x19: {  	[sflag:s23] =	ssyncset.done @!p0 $0x0  }
0x1a: {  	[sflag:s23] =	ssyncadd.s32 @!p0 $0xFFFFFF00  }
.LBB2_1:
0x1b: {  	[spmem:s15], [sflag:s11] =	dma.local [hbm:s9], $0x2700  }
0x1c: {  	_ =	swait.ge [sflag:s16], $0x2700  }
0x1d: {  	[sflag:s16] =	ssyncset.done $0x0  }
0x1e: {  	s23 =	simm.s32 @!p0 $0x2;
	[sflag:s16] =	ssyncadd.s32 $0xFFFFD900  }
0x1f: {  	[spmem:s17], [sflag:s11] =	dma.local @!p0 [hbm:s9], $0x100  }
.Ltmp2:
0x20: {  	_ =	swait.ge @!p0 [sflag:s23], $0x100;
	(pc) =	sbr.rel .LBB2_2-.Ltmp2, $4  }
0x21: {  	[sflag:s23] =	ssyncset.done @!p0 $0x0  }
0x22: {  	[sflag:s23] =	ssyncadd.s32 @!p0 $0xFFFFFF00  }
0x23: {  	[bflag:$0x0] =	sbarrier.arrive $0xFFFF  }
0x24: {  	s23 =	simm.s32 $0x0  }
.LBB2_6:
0x25: {  	s23 =	sadd.s32 $0x1, s23  }
0x26: {  	p1 =	sne.s32 s23, $0x4F  }
.Ltmp3:
0x27: {  	_ = 	snop;
	(pc) =	sbr.rel @!p1 .LBB2_7-.Ltmp3, $1  }
0x28: {  	_ =	sdelay $0x3  }
.LBB2_2:
0x29: {  	s24 =	sshll.u32 s23, $0x5  }
0x2a: {  	s24 =	sor.u32 s10, s24  }
0x2b: {  	p1 =	sgt.u32 s24, $0x9C3  }
.Ltmp4:
0x2c: {  	_ = 	snop;
	(pc) =	sbr.rel @p1 .LBB2_6-.Ltmp4, $1  }
0x2d: {  	_ =	sdelay $0x3  }
0x2e: {  	s24 =	sor.u32 s8, s24  }
0x2f: {  	s25 =	sshll.u32 s24, $0x4  }
0x30: {  	s26 =	sadd.s32 s6, s25  }
0x31: {  	[tilespmem:s28], [sflag:$0x3] =	stream.linear.gather [hbm4b:s26+s28], $0x80, $0x38;
	[tilespmem:$0x1B980] =	vst v63  }
0x32: {  	_ =	swait.ge [sflag:s18], $0x80  }
0x33: {  	[sflag:s18] =	ssyncset.done $0x0  }
0x34: {  	s25 =	sadd.s32 s7, s25;
	[sflag:s18] =	ssyncadd.s32 $0xFFFFFF80  }
0x35: {  	[tilespmem:s19], [sflag:$0x3] =	stream.linear.gather [hbm4b:s25+s28], $0x80, $0x38;
	[tilespmem:$0x1B980] =	vst v63  }
0x36: {  	_ =	swait.ge [sflag:s18], $0x80  }
0x37: {  	s24 =	sshll.u32 s24, $0xB;
	[sflag:s18] =	ssyncset.done $0x0  }
0x38: {  	s24 =	sadd.s32 s4, s24;
	[sflag:s18] =	ssyncadd.s32 $0xFFFFFF80  }
0x39: {  	[tilespmem:s20], [sflag:$0x3] =	stream.linear.gather [hbm4b:s24+s28], $0x4000, $0x38;
	[tilespmem:$0x1B980] =	vst v63  }
0x3a: {  	_ =	swait.ge [sflag:s18], $0x4000  }
0x3b: {  	[sflag:s18] =	ssyncset.done $0x0  }
0x3c: {  	[sflag:s18] =	ssyncadd.s32 $0xFFFFC000  }
0x3d: {  	[tilespmem:s21], [sflag:$0x1] =	stream.indirect.gather [hbm4b:s3+s19], $0x80, s28, s19, $0xb8;
	[tilespmem:$0x1B980] =	vst v63  }
0x3e: {  	_ =	swait.ge [sflag:s22], $0x4000  }
0x3f: {  	[sflag:s22] =	ssyncset.done $0x0  }
0x40: {  	s24 =	simm.s32 $0x0;
	[sflag:s22] =	ssyncadd.s32 $0xFFFFC000  }
0x41: {  	v6 =	vld [tilespmem:s24+$0x4100]  }
0x42: {  	v11 =	vld [tilespmem:s24+$0x4110]  }
0x43: {  	v5 =	vld [tilespmem:s24+$0x4120]  }
0x44: {  	v4 =	vld [tilespmem:s24+$0x4130]  }
0x45: {  	v3 =	vld [tilespmem:s24+$0x4140]  }
0x46: {  	v2 =	vld [tilespmem:s24+$0x4150]  }
0x47: {  	v1 =	vld [tilespmem:s24+$0x4160]  }
0x48: {  	v0 =	vld [tilespmem:s24+$0x4170]  }
0x49: {  	v12 =	vld [tilespmem:s24+$0x100]  }
0x4a: {  	v13 =	vld [tilespmem:s24+$0x110]  }
0x4b: {  	v10 =	vld [tilespmem:s24+$0x120]  }
0x4c: {  	v9 =	vld [tilespmem:s24+$0x130]  }
0x4d: {  	v8 =	vld [tilespmem:s24+$0x140]  }
0x4e: {  	v7 =	vld [tilespmem:s24+$0x150];
	v12 =	vadd.f32 v6, v12  }
0x4f: {  	s25 =	simm.s32 $0x200;
	v11 =	vadd.f32 v11, v13;
	v6 =	vld [tilespmem:s24+$0x160]  }
.LBB2_4:
0x50: {  	s26 =	sshra.s32 s25, $0x2;
	p1 =	sne.s32 s25, $0xFE00;
	v12 =	vmax.f32 v12, $0.0e+00;
	v5 =	vadd.f32 v5, v10;
	v10 =	vld [tilespmem:s24+$0x170]  }
0x51: {  	v13 =	vld [tilespmem:s26+$0x4100];
	[tilespmem:s24+$0x100] =	vst v12;
	v11 =	vmax.f32 v11, $0.0e+00;
	v4 =	vadd.f32 v4, v9  }
0x52: {  	v14 =	vld [tilespmem:s26+$0x4110];
	[tilespmem:s24+$0x110] =	vst v11;
	v9 =	vmax.f32 v5, $0.0e+00;
	v3 =	vadd.f32 v3, v8  }
0x53: {  	v5 =	vld [tilespmem:s26+$0x4120];
	[tilespmem:s24+$0x120] =	vst v9;
	v8 =	vmax.f32 v4, $0.0e+00;
	v2 =	vadd.f32 v2, v7  }
0x54: {  	v4 =	vld [tilespmem:s26+$0x4130];
	[tilespmem:s24+$0x130] =	vst v8;
	v7 =	vmax.f32 v3, $0.0e+00;
	v1 =	vadd.f32 v1, v6  }
0x55: {  	v3 =	vld [tilespmem:s26+$0x4140];
	[tilespmem:s24+$0x140] =	vst v7;
	v6 =	vmax.f32 v2, $0.0e+00;
	v0 =	vadd.f32 v0, v10  }
0x56: {  	v2 =	vld [tilespmem:s26+$0x4150];
	[tilespmem:s24+$0x150] =	vst v6;
	v6 =	vmax.f32 v1, $0.0e+00  }
0x57: {  	v1 =	vld [tilespmem:s26+$0x4160];
	[tilespmem:s24+$0x160] =	vst v6;
	v6 =	vmax.f32 v0, $0.0e+00  }
0x58: {  	v0 =	vld [tilespmem:s26+$0x4170];
	[tilespmem:s24+$0x170] =	vst v6;
	s24 =	smov.u32 s26  }
0x59: {  	v6 =	vld [tilespmem:s24+$0x100]  }
0x5a: {  	v11 =	vld [tilespmem:s24+$0x110]  }
.Ltmp5:
0x5b: {  	v10 =	vld [tilespmem:s24+$0x120];
	(pc) =	sbr.rel @p1 .LBB2_4-.Ltmp5, $4  }
0x5c: {  	v9 =	vld [tilespmem:s24+$0x130]  }
0x5d: {  	v8 =	vld [tilespmem:s24+$0x140]  }
0x5e: {  	v12 =	vadd.f32 v13, v6;
	v7 =	vld [tilespmem:s24+$0x150]  }
0x5f: {  	s25 =	sadd.s32 $0x200, s25;
	v11 =	vadd.f32 v14, v11;
	v6 =	vld [tilespmem:s24+$0x160]  }
0x60: {  	v12 =	vmax.f32 v12, $0.0e+00;
	v5 =	vadd.f32 v5, v10;
	v63 =	vld [tilespmem:s24+$0x170]  }
0x61: {  	[tilespmem:s24+$0x100] =	vst v12;
	v11 =	vmax.f32 v11, $0.0e+00;
	v4 =	vadd.f32 v4, v9  }
0x62: {  	[tilespmem:s24+$0x110] =	vst v11;
	v5 =	vmax.f32 v5, $0.0e+00;
	v3 =	vadd.f32 v3, v8  }
0x63: {  	[tilespmem:s24+$0x120] =	vst v5;
	v4 =	vmax.f32 v4, $0.0e+00;
	v2 =	vadd.f32 v2, v7  }
0x64: {  	[tilespmem:s24+$0x130] =	vst v4;
	v3 =	vmax.f32 v3, $0.0e+00;
	v1 =	vadd.f32 v1, v6  }
0x65: {  	[tilespmem:s24+$0x140] =	vst v3;
	v2 =	vmax.f32 v2, $0.0e+00;
	v0 =	vadd.f32 v0, v63  }
0x66: {  	[tilespmem:s24+$0x150] =	vst v2;
	v1 =	vmax.f32 v1, $0.0e+00  }
0x67: {  	[tilespmem:s24+$0x160] =	vst v1;
	v0 =	vmax.f32 v0, $0.0e+00  }
.Ltmp6:
0x68: {  	[tilespmem:s24+$0x170] =	vst v0;
	(pc) =	sbr.rel .LBB2_6-.Ltmp6, $4  }
0x69: {  	[spmem:s1] =	stream.indirect.scatter.add.f32 [tilespmem:s21], [sflag:$0x2], $0x80, s19, s19, $0xb8;
	[tilespmem:$0x1B980] =	vst v63  }
0x6a: {  	_ =	swait.ge [sflag:s16], $0x4000  }
0x6b: {  	[sflag:s16] =	ssyncset.done $0x0  }
0x6c: {  	[sflag:s16] =	ssyncadd.s32 $0xFFFFC000  }
.LBB2_8:
0x6d: {  	_ =	sfence.sel $0x180000  }
0x6e: {  	[bflag:$0x0] =	sbarrier.arrive $0xFFFF  }
0x6f: {  	p0 =	sne.s32 s5, $0x0;
	_ =	strace $0x9000004A  }
0x70: {  	s0 =	sadd.s32 @!p0 $0x100000, s0;
	[bflag:$0x2] =	sbarrier.arrive $0xFFFF  }
0x71: {  	[sflag:s0] =	ssyncadd.tile.s32 @!p0 $0x1;
	_ =	shalt  }
.Lfunc_end2:
_tile_overlayer_lowered:
.L_overlay_start_2:
0x72: {  	(tag) =	ssettag $0x2  }
0x73: {  	s0 =	rddreg [dreg:$0x0];
	s2 =	stileid.u32  }
0x74: {  	s1 =	rddreg [dreg:$0x1];
	p0 =	sne.s32 s2, $0x0  }
0x75: {  	s3 =	rddreg [dreg:$0x2];
	[bflag:$0x3] =	sbarrier.arrive $0xFFFF;
	s2 =	simm.s32 @!p0 $0x1C02  }
0x76: {  	[timem:s3], [sflag:s2] =	dma.local @!p0 [hbm:s0], s1  }
0x77: {  	s0 =	simm.s32 @!p0 $0x2  }
0x78: {  	_ =	swait.ge @!p0 [sflag:s0], s1  }
0x79: {  	s1 =	ssub.s32 @!p0 $0x0, s1;
	[sflag:s0] =	ssyncset.done @!p0 $0x0  }
0x7a: {  	[sflag:s0] =	ssyncadd.s32 @!p0 s1  }
0x7b: {  	[bflag:$0x3] =	sbarrier.arrive $0xFFFF  }
0x7c: {  	_ =	shalt  }

// kernel: kernel.8.cloned.1.call-start
scs
__scs_entry_jumppad:
0x0: {  	(pc) =	sbr.rel $0x88, $3  }
0x1: {  	(tag) =	ssettag $0x0;
	lr =	simm.s32 $0x1  }
0x2: {  	[smem:$0x3F89] =	sst lr;
	_ =	strace $0xD0000000  }
0x3: {  	_ = 	snop  }
0x4: {  	_ = 	snop  }
0x5: {  	_ = 	snop  }
0x6: {  	_ = 	snop  }
0x7: {  	_ = 	snop  }
__scs_overlays_trampoline_lowered:
0x8: {  	[smem:$0x3F98] =	sst s0  }
0x9: {  	[smem:$0x3F99] =	sst s1  }
0xa: {  	[smem:$0x3F9A] =	sst s2  }
0xb: {  	[smem:$0x3F9B] =	sst s3  }
0xc: {  	[smem:$0x3F9C] =	sst s4  }
0xd: {  	[smem:$0x3F9D] =	sst s5  }
0xe: {  	[smem:$0x3F9E] =	sst s6  }
0xf: {  	[smem:$0x3F9F] =	sst s7  }
0x10: {  	[smem:$0x3FA0] =	sst s8  }
0x11: {  	[smem:$0x3FA1] =	sst s9;
	s0 =	simm.s32 @!p0 $0x0  }
0x12: {  	s1 =	sld [smem:$0x3F87];
	s0 =	simm.s32 @p0 $0x1  }
0x13: {  	[smem:$0x3FA2] =	sst s0;
	s0 =	simm.s32 @!p1 $0x0  }
0x14: {  	s2 =	sld [smem:$0x3F86];
	s0 =	simm.s32 @p1 $0x1  }
0x15: {  	[smem:$0x3FA3] =	sst s0;
	s0 =	simm.s32 @!p2 $0x0  }
0x16: {  	s3 =	sld [smem:$0x3FDB];
	s0 =	simm.s32 @p2 $0x1  }
0x17: {  	s4 =	simm.s32 $0x1BF5;
	[smem:$0x3FA5] =	sst s0  }
0x18: {  	s0 =	sld [smem:$0x3F88];
	_ =	swait.ge [sflag:s4], $0x0  }
0x19: {  	s7 =	sld [smem:$0x3F89]  }
0x1a: {  	s8 =	sadd.s32 $0xFFFFE003, lr  }
0x1b: {  	s9 =	sadd.s32 $0xFFFFFEF7, lr;
	s5 =	simm.s32 $0xFFFFFFFF;
	p2 =	slt.u32 s8, $0xFFFFF086  }
0x1c: {  	p1 =	slt.u32 s9, $0xF7A;
	s5 =	simm.s32 @!p2 $0x0  }
0x1d: {  	s5 =	simm.s32 @p1 $0x1;
	p0 =	seq.s32 s7, s2  }
0x1e: {  	s7 =	smul.u32 @!p0 $0xF7A, s2;
	p2 =	seq.s32 @!p0 s5, $0x0  }
0x1f: {  	s9 =	smul.u32 $0xF7A, s1;
	s8 =	simm.s32 @!p0 $0x1BF5;
	p2 =	por !p2, p0  }
0x20: {  	[sflag:s8] =	ssyncset.s32 @!p0 $0xFFFFF086;
	s6 =	sadd.s32 @!p0 s3, s7;
	s7 =	simm.s32 @!p0 $0x108  }
0x21: {  	s3 =	sadd.s32 s3, s9;
	s6 =	sadd.s32 @!p0 $0x88, s6;
	s7 =	simm.s32 @p2 $0x1082  }
0x22: {  	[simem:s7], [sflag:s8] =	dma.local @!p0 [hbm:s6], $0xF7A  }
0x23: {  	s9 =	sor.u32 $0xD0000000, s2;
	s6 =	simm.s32 $0x108;
	_ =	swait.ge @!p0 [sflag:s8], $0x0  }
0x24: {  	s3 =	sadd.s32 $0x88, s3;
	s6 =	simm.s32 @!p1 $0x1082;
	[sflag:s4] =	ssyncset.s32 $0xFFFFF086  }
0x25: {  	[simem:s6], [sflag:s4] =	dma.local [hbm:s3], $0xF7A  }
0x26: {  	[smem:$0x3F89] =	sst s1;
	(tag) =	ssettag s2;
	_ =	strace s9  }
0x27: {  	s1 =	sld [smem:$0x3F99]  }
0x28: {  	s2 =	sld [smem:$0x3F9A]  }
0x29: {  	s4 =	sld [smem:$0x3F9C]  }
0x2a: {  	p0 =	seq.s32 s5, $0x0;
	s5 =	sld [smem:$0x3F9D]  }
0x2b: {  	s6 =	sld [smem:$0x3F9E]  }
0x2c: {  	s7 =	sld [smem:$0x3F9F]  }
0x2d: {  	s3 =	simm.s32 $0x108;
	s8 =	sld [smem:$0x3FA0]  }
0x2e: {  	s3 =	simm.s32 @!p0 $0x1082;
	s9 =	sld [smem:$0x3FA1]  }
0x2f: {  	lr =	sadd.s32 s0, s3;
	s0 =	sld [smem:$0x3F98]  }
0x30: {  	s3 =	sld [smem:$0x3F9B]  }
0x31: {  	[smem:$0x3FA4] =	sst s10  }
0x32: {  	s10 =	sld [smem:$0x3FA2];
	_ =	sdelay $0x3  }
0x33: {  	p0 =	seq.s32 s10, $0x1;
	s10 =	sld [smem:$0x3FA4];
	_ =	sdelay $0x3  }
0x34: {  	[smem:$0x3FA4] =	sst s10  }
0x35: {  	s10 =	sld [smem:$0x3FA3];
	_ =	sdelay $0x3  }
0x36: {  	p1 =	seq.s32 s10, $0x1;
	s10 =	sld [smem:$0x3FA4];
	_ =	sdelay $0x3  }
0x37: {  	[smem:$0x3FA4] =	sst s10  }
0x38: {  	s10 =	sld [smem:$0x3FA5]  }
0x39: {  	_ = 	snop;
	(pc) =	sbr.ind lr, $3  }
0x3a: {  	_ = 	snop  }
0x3b: {  	_ = 	snop  }
0x3c: {  	p2 =	seq.s32 s10, $0x1;
	s10 =	sld [smem:$0x3FA4]  }
0x3d: {  	_ =	shalt  }
0x3e: {  	_ =	shalt  }
0x3f: {  	_ =	shalt  }
0x40: {  	_ =	shalt  }
0x41: {  	_ =	shalt  }
0x42: {  	_ =	shalt  }
0x43: {  	_ =	shalt  }
0x44: {  	_ =	shalt  }
0x45: {  	_ =	shalt  }
0x46: {  	_ =	shalt  }
0x47: {  	_ =	shalt  }
0x48: {  	_ =	shalt  }
0x49: {  	_ =	shalt  }
0x4a: {  	_ =	shalt  }
0x4b: {  	_ =	shalt  }
0x4c: {  	_ =	shalt  }
0x4d: {  	_ =	shalt  }
0x4e: {  	_ =	shalt  }
0x4f: {  	_ =	shalt  }
0x50: {  	_ =	shalt  }
0x51: {  	_ =	shalt  }
0x52: {  	_ =	shalt  }
0x53: {  	_ =	shalt  }
0x54: {  	_ =	shalt  }
0x55: {  	_ =	shalt  }
0x56: {  	_ =	shalt  }
0x57: {  	_ =	shalt  }
0x58: {  	_ =	shalt  }
0x59: {  	_ =	shalt  }
0x5a: {  	_ =	shalt  }
0x5b: {  	_ =	shalt  }
0x5c: {  	_ =	shalt  }
0x5d: {  	_ =	shalt  }
0x5e: {  	_ =	shalt  }
0x5f: {  	_ =	shalt  }
0x60: {  	_ =	shalt  }
0x61: {  	_ =	shalt  }
0x62: {  	_ =	shalt  }
0x63: {  	_ =	shalt  }
0x64: {  	_ =	shalt  }
0x65: {  	_ =	shalt  }
0x66: {  	_ =	shalt  }
0x67: {  	_ =	shalt  }
0x68: {  	_ =	shalt  }
0x69: {  	_ =	shalt  }
0x6a: {  	_ =	shalt  }
0x6b: {  	_ =	shalt  }
0x6c: {  	_ =	shalt  }
0x6d: {  	_ =	shalt  }
0x6e: {  	_ =	shalt  }
0x6f: {  	_ =	shalt  }
0x70: {  	_ =	shalt  }
0x71: {  	_ =	shalt  }
0x72: {  	_ =	shalt  }
0x73: {  	_ =	shalt  }
0x74: {  	_ =	shalt  }
0x75: {  	_ =	shalt  }
0x76: {  	_ =	shalt  }
0x77: {  	_ =	shalt  }
0x78: {  	_ =	shalt  }
0x79: {  	_ =	shalt  }
0x7a: {  	_ =	shalt  }
0x7b: {  	_ =	shalt  }
0x7c: {  	_ =	shalt  }
0x7d: {  	_ =	shalt  }
0x7e: {  	_ =	shalt  }
0x7f: {  	_ =	shalt  }
0x80: {  	_ =	shalt  }
0x81: {  	_ =	shalt  }
0x82: {  	_ =	shalt  }
0x83: {  	_ =	shalt  }
0x84: {  	_ =	shalt  }
0x85: {  	_ =	shalt  }
0x86: {  	_ =	shalt  }
0x87: {  	_ =	shalt  }
.Lfunc_end0:
.L_simem_size_0:
called_computation_lowered:
.L_overlay_start_0:
0x88: {  	s2 =	sld [smem:$0x3FD9]  }
0x89: {  	s3 =	sld [smem:$0x3FFE];
	_ =	sdelay $0x1  }
0x8a: {  	s1 =	srdreg.scid  }
0x8b: {  	s0 =	sand.u32 $0x1, s1  }
0x8c: {  	s17 =	sshll.u32 s0, $0xA;
	s2 =	sadd.s32 s3, s2  }
0x8d: {  	s2 =	sadd.s32 s2, s17  }
0x8e: {  	[smem:$0x3FB0] =	sst s2  }
0x8f: {  	_ = 	snop  }
0x90: {  	s2 =	sld [smem:$0x3FC9];
	(tm) =	ssettm $0x1  }
0x91: {  	s18 =	sld [smem:$0x3FFB];
	_ =	sdelay $0x3  }
0x92: {  	_ =	strace s18  }
0x93: {  	s3 =	sld [smem:$0x3FFC];
	_ =	sdelay $0x3  }
0x94: {  	_ =	strace s3  }
0x95: {  	s3 =	sld [smem:$0x3FFD];
	_ =	sdelay $0x3  }
0x96: {  	_ =	strace s3  }
0x97: {  	_ =	strace $0x8FFFFFFF  }
0x98: {  	s19 =	sld [smem:$0x3FDB];
	_ =	sdelay $0x1  }
0x99: {  	s4 =	simm.s32 $_scs_section_size  }
0x9a: {  	s5 =	simm.s32 $_size__tile_overlayer_lowered;
	s6 =	simm.s32 $_tile_overlayer_lowered  }
0x9b: {  	s22 =	simm.s32 $0x1BFF;
	s21 =	sshll.u32 s6, $0x1;
	s3 =	sadd.s32 s4, s19  }
0x9c: {  	s7 =	simm.s32 $0x0;
	s20 =	sshll.u32 s5, $0x1;
	s5 =	sadd.s32 s21, s3  }
0x9d: {  	[timem:s7], [sflag:s22] =	dma.local [hbm:s5], s20  }
0x9e: {  	_ =	swait.ge [sflag:s22], s20  }
0x9f: {  	s4 =	ssub.s32 $0x0, s20;
	[sflag:s22] =	ssyncset.done $0x0  }
0xa0: {  	[sflag:s22] =	ssyncadd.s32 s4;
	_ =	sdelay $0x1  }
0xa1: {  	s23 =	simm.s32 $0x1B8B  }
0xa2: {  	_ =	swait.ge [sflag:s23], $0x1  }
0xa3: {  	[sflag:s23] =	ssyncset.done $0x0  }
0xa4: {  	s25 =	simm.s32 $0x1B8E;
	s24 =	sld [smem:$0x3FFE];
	[sflag:s23] =	ssyncadd.s32 $0xFFFFFFFF  }
0xa5: {  	s26 =	simm.s32 $execute0_lowered;
	[smem:$0x3FD2] =	sst s25  }
0xa6: {  	s5 =	sshll.u32 s26, $0x1;
	_ =	strace $0x80000046;
	[dreg:$0x1] =	wrdreg $0xFFFFFFFF  }
0xa7: {  	s28 =	simm.s32 $_size_execute0_lowered;
	s3 =	sadd.s32 s3, s5;
	[dreg:$0x0] =	wrdreg $0x0  }
0xa8: {  	s5 =	sshll.u32 s28, $0x1;
	[dreg:$0x2] =	wrdreg s3  }
0xa9: {  	[dreg:$0x3] =	wrdreg s5  }
0xaa: {  	[dreg:$0x4] =	wrdreg $0xC0  }
0xab: {  	_ =	task [dreg:s7], $0x5FFFF  }
0xac: {  	[dreg:$0x1] =	wrdreg $0xFFFFFFFF  }
0xad: {  	[dreg:$0x0] =	wrdreg $0x60  }
0xae: {  	[dreg:$0x2] =	wrdreg s2  }
0xaf: {  	[dreg:$0x3] =	wrdreg s24  }
0xb0: {  	[dreg:$0x4] =	wrdreg $0x81000  }
0xb1: {  	[dreg:$0x5] =	wrdreg $0x9  }
0xb2: {  	_ =	task.clear_ibuf [dreg:s7], $0x6FFFF;
	_ =	strace $0x90000046  }
0xb3: {  	s29 =	simm.s32 $0x9;
	_ =	strace $0x80000048  }
0xb4: {  	_ =	swait.ge [sflag:s29], $0x1  }
0xb5: {  	[sflag:s29] =	ssyncadd.s32 $0xFFFFFFFF  }
0xb6: {  	_ =	strace $0x90000048  }
0xb7: {  	_ =	sfence  }
0xb8: {  	s30 =	sld [smem:$0x0];
	_ =	sdelay $0x2  }
0xb9: {  	s31 =	sshll.u32 s1, $0xD;
	s1 =	sshrl.u32 s1, $0x2  }
0xba: {  	s3 =	sand.u32 $0x4000, s31;
	s1 =	sadd.s32 s1, s30  }
0xbb: {  	s0 =	sor.u32 s3, s0;
	s1 =	sshll.u32 s1, $0x11  }
0xbc: {  	s0 =	sor.u32 s1, s0  }
0xbd: {  	s0 =	sadd.s32 $0x8F2B, s0  }
0xbe: {  	[sflag:s0] =	ssyncadd.remote.s32 $0x1  }
0xbf: {  	_ =	sfence.sel $0xFFFF  }
0xc0: {  	[dreg:$0x0] =	wrdreg $0xFFFFFFFF;
	(pc) =	sbr.abs _section_cstart, $3  }
0xc1: {  	[dreg:$0x1] =	wrdreg $0xFFFFFFFF  }
0xc2: {  	_ =	task.clear_ibuf [dreg:s7], $0x2FFFF;
	_ =	strace $0x9FFFFFFF  }
0xc3: {  	(tm) =	ssettm $0x7FFFFFFF  }
tec
execute0_lowered:
.L_overlay_start_1:
0x0: {  	(tag) =	ssettag $0x1  }
0x1: {  	s1 =	rddreg [dreg:$0x0]  }
0x2: {  	s10 =	rddreg [dreg:$0x1]  }
0x3: {  	s2 =	rddreg [dreg:$0x2]  }
0x4: {  	s0 =	rddreg [dreg:$0x3];
	s3 =	simm.s32 $0x0;
	s5 =	srdreg.scid  }
0x5: {  	s20 =	simm.s32 $0x4100;
	s21 =	simm.s32 $0x100;
	s22 =	simm.s32 $0x1  }
0x6: {  	s28 =	simm.s32 $0x0;
	[smem:$0x7FF] =	sst s3;
	s4 =	sadd.s32 $0x4F7C00, s10  }
0x7: {  	s6 =	sadd.s32 $0x4EDE00, s10;
	s7 =	sadd.s32 $0x4E4000, s10;
	s8 =	sand.u32 $0x1, s5  }
0x8: {  	s5 =	stileid.u32;
	s9 =	sadd.s32 $0x2000, s10;
	s13 =	sadd.s32 $0x4800, s10  }
0x9: {  	s19 =	sadd.s32 $0x138000, s2;
	_ =	strace $0x80000047;
	s12 =	smul.u32 $0x2700, s5  }
0xa: {  	s11 =	ssub.s32 $0x2, s8;
	s14 =	smul.u32 $0x4E000, s5;
	s10 =	sshll.u32 s5, $0x1  }
0xb: {  	s16 =	smul.u32 $0x138800, s8;
	s30 =	sshll.u32 s5, $0x6;
	s26 =	sshrl.u32 s11, $0x1  }
0xc: {  	s17 =	smul.u32 $0x27100, s8;
	p0 =	sne.s32 s5, $0xF;
	s15 =	ssub.s32 s11, s26  }
.Ltmp0:
0xd: {  	s29 =	sshrl.u32 s14, $0x2;
	s11 =	sor.u32 $0x1C02, s30;
	(pc) =	sbr.rel .LBB2_1-.Ltmp0, $4  }
0xe: {  	s31 =	sshrl.u32 s16, $0x3;
	s12 =	sadd.s32 s12, s17;
	s16 =	simm.s32 $0x2  }
0xf: {  	s17 =	sshrl.u32 @!p0 s19, $0x3;
	s19 =	simm.s32 $0x80;
	s14 =	sadd.s32 s13, s31  }
0x10: {  	s18 =	sadd.s32 s29, s2;
	s12 =	sadd.s32 s13, s12;
	s13 =	sadd.s32 $0x27000, s14  }
0x11: {  	s14 =	smax.u32 s15, $0x1;
	s15 =	sshrl.u32 s18, $0x3;
	s18 =	simm.s32 $0x3  }
.LBB2_7:
0x12: {  	[bflag:$0x0] =	sbarrier.arrive $0xFFFF  }
0x13: {  	[hbm:s12], [sflag:s11] =	dma.local [spmem:s15], $0x2700  }
0x14: {  	s3 =	sadd.s32 $0x1, s3;
	_ =	swait.ge [sflag:s16], $0x2700  }
0x15: {  	p1 =	sne.s32 s3, s14;
	[sflag:s16] =	ssyncset.done $0x0  }
.Ltmp1:
0x16: {  	s23 =	simm.s32 @!p0 $0x2;
	[sflag:s16] =	ssyncadd.s32 $0xFFFFD900;
	(pc) =	sbr.rel @!p1 .LBB2_8-.Ltmp1, $4  }
0x17: {  	[hbm:s13], [sflag:s11] =	dma.local @!p0 [spmem:s17], $0x100  }
0x18: {  	_ =	swait.ge @!p0 [sflag:s23], $0x100  }
0x19: {  	[sflag:s23] =	ssyncset.done @!p0 $0x0  }
0x1a: {  	[sflag:s23] =	ssyncadd.s32 @!p0 $0xFFFFFF00  }
.LBB2_1:
0x1b: {  	[spmem:s15], [sflag:s11] =	dma.local [hbm:s9], $0x2700  }
0x1c: {  	_ =	swait.ge [sflag:s16], $0x2700  }
0x1d: {  	[sflag:s16] =	ssyncset.done $0x0  }
0x1e: {  	s23 =	simm.s32 @!p0 $0x2;
	[sflag:s16] =	ssyncadd.s32 $0xFFFFD900  }
0x1f: {  	[spmem:s17], [sflag:s11] =	dma.local @!p0 [hbm:s9], $0x100  }
.Ltmp2:
0x20: {  	_ =	swait.ge @!p0 [sflag:s23], $0x100;
	(pc) =	sbr.rel .LBB2_2-.Ltmp2, $4  }
0x21: {  	[sflag:s23] =	ssyncset.done @!p0 $0x0  }
0x22: {  	[sflag:s23] =	ssyncadd.s32 @!p0 $0xFFFFFF00  }
0x23: {  	[bflag:$0x0] =	sbarrier.arrive $0xFFFF  }
0x24: {  	s23 =	simm.s32 $0x0  }
.LBB2_6:
0x25: {  	s23 =	sadd.s32 $0x1, s23  }
0x26: {  	p1 =	sne.s32 s23, $0x4F  }
.Ltmp3:
0x27: {  	_ = 	snop;
	(pc) =	sbr.rel @!p1 .LBB2_7-.Ltmp3, $1  }
0x28: {  	_ =	sdelay $0x3  }
.LBB2_2:
0x29: {  	s24 =	sshll.u32 s23, $0x5  }
0x2a: {  	s24 =	sor.u32 s10, s24  }
0x2b: {  	p1 =	sgt.u32 s24, $0x9C3  }
.Ltmp4:
0x2c: {  	_ = 	snop;
	(pc) =	sbr.rel @p1 .LBB2_6-.Ltmp4, $1  }
0x2d: {  	_ =	sdelay $0x3  }
0x2e: {  	s24 =	sor.u32 s8, s24  }
0x2f: {  	s25 =	sshll.u32 s24, $0x4  }
0x30: {  	s26 =	sadd.s32 s6, s25  }
0x31: {  	[tilespmem:s28], [sflag:$0x3] =	stream.linear.gather [hbm4b:s26+s28], $0x80, $0x38;
	[tilespmem:$0x1B980] =	vst v63  }
0x32: {  	_ =	swait.ge [sflag:s18], $0x80  }
0x33: {  	[sflag:s18] =	ssyncset.done $0x0  }
0x34: {  	s25 =	sadd.s32 s7, s25;
	[sflag:s18] =	ssyncadd.s32 $0xFFFFFF80  }
0x35: {  	[tilespmem:s19], [sflag:$0x3] =	stream.linear.gather [hbm4b:s25+s28], $0x80, $0x38;
	[tilespmem:$0x1B980] =	vst v63  }
0x36: {  	_ =	swait.ge [sflag:s18], $0x80  }
0x37: {  	s24 =	sshll.u32 s24, $0xB;
	[sflag:s18] =	ssyncset.done $0x0  }
0x38: {  	s24 =	sadd.s32 s4, s24;
	[sflag:s18] =	ssyncadd.s32 $0xFFFFFF80  }
0x39: {  	[tilespmem:s20], [sflag:$0x3] =	stream.linear.gather [hbm4b:s24+s28], $0x4000, $0x38;
	[tilespmem:$0x1B980] =	vst v63  }
0x3a: {  	_ =	swait.ge [sflag:s18], $0x4000  }
0x3b: {  	[sflag:s18] =	ssyncset.done $0x0  }
0x3c: {  	[sflag:s18] =	ssyncadd.s32 $0xFFFFC000  }
0x3d: {  	[tilespmem:s21], [sflag:$0x1] =	stream.indirect.gather [hbm4b:s1+s19], $0x80, s28, s19, $0xb8;
	[tilespmem:$0x1B980] =	vst v63  }
0x3e: {  	_ =	swait.ge [sflag:s22], $0x4000  }
0x3f: {  	[sflag:s22] =	ssyncset.done $0x0  }
0x40: {  	s24 =	simm.s32 $0x0;
	[sflag:s22] =	ssyncadd.s32 $0xFFFFC000  }
0x41: {  	v6 =	vld [tilespmem:s24+$0x4100]  }
0x42: {  	v11 =	vld [tilespmem:s24+$0x4110]  }
0x43: {  	v5 =	vld [tilespmem:s24+$0x4120]  }
0x44: {  	v4 =	vld [tilespmem:s24+$0x4130]  }
0x45: {  	v3 =	vld [tilespmem:s24+$0x4140]  }
0x46: {  	v2 =	vld [tilespmem:s24+$0x4150]  }
0x47: {  	v1 =	vld [tilespmem:s24+$0x4160]  }
0x48: {  	v0 =	vld [tilespmem:s24+$0x4170]  }
0x49: {  	v12 =	vld [tilespmem:s24+$0x100]  }
0x4a: {  	v13 =	vld [tilespmem:s24+$0x110]  }
0x4b: {  	v10 =	vld [tilespmem:s24+$0x120]  }
0x4c: {  	v9 =	vld [tilespmem:s24+$0x130]  }
0x4d: {  	v8 =	vld [tilespmem:s24+$0x140]  }
0x4e: {  	v7 =	vld [tilespmem:s24+$0x150];
	v12 =	vadd.f32 v6, v12  }
0x4f: {  	s25 =	simm.s32 $0x200;
	v11 =	vadd.f32 v11, v13;
	v6 =	vld [tilespmem:s24+$0x160]  }
.LBB2_4:
0x50: {  	s26 =	sshra.s32 s25, $0x2;
	p1 =	sne.s32 s25, $0xFE00;
	v12 =	vmax.f32 v12, $0.0e+00;
	v5 =	vadd.f32 v5, v10;
	v10 =	vld [tilespmem:s24+$0x170]  }
0x51: {  	v13 =	vld [tilespmem:s26+$0x4100];
	[tilespmem:s24+$0x100] =	vst v12;
	v11 =	vmax.f32 v11, $0.0e+00;
	v4 =	vadd.f32 v4, v9  }
0x52: {  	v14 =	vld [tilespmem:s26+$0x4110];
	[tilespmem:s24+$0x110] =	vst v11;
	v9 =	vmax.f32 v5, $0.0e+00;
	v3 =	vadd.f32 v3, v8  }
0x53: {  	v5 =	vld [tilespmem:s26+$0x4120];
	[tilespmem:s24+$0x120] =	vst v9;
	v8 =	vmax.f32 v4, $0.0e+00;
	v2 =	vadd.f32 v2, v7  }
0x54: {  	v4 =	vld [tilespmem:s26+$0x4130];
	[tilespmem:s24+$0x130] =	vst v8;
	v7 =	vmax.f32 v3, $0.0e+00;
	v1 =	vadd.f32 v1, v6  }
0x55: {  	v3 =	vld [tilespmem:s26+$0x4140];
	[tilespmem:s24+$0x140] =	vst v7;
	v6 =	vmax.f32 v2, $0.0e+00;
	v0 =	vadd.f32 v0, v10  }
0x56: {  	v2 =	vld [tilespmem:s26+$0x4150];
	[tilespmem:s24+$0x150] =	vst v6;
	v6 =	vmax.f32 v1, $0.0e+00  }
0x57: {  	v1 =	vld [tilespmem:s26+$0x4160];
	[tilespmem:s24+$0x160] =	vst v6;
	v6 =	vmax.f32 v0, $0.0e+00  }
0x58: {  	v0 =	vld [tilespmem:s26+$0x4170];
	[tilespmem:s24+$0x170] =	vst v6;
	s24 =	smov.u32 s26  }
0x59: {  	v6 =	vld [tilespmem:s24+$0x100]  }
0x5a: {  	v11 =	vld [tilespmem:s24+$0x110]  }
.Ltmp5:
0x5b: {  	v10 =	vld [tilespmem:s24+$0x120];
	(pc) =	sbr.rel @p1 .LBB2_4-.Ltmp5, $4  }
0x5c: {  	v9 =	vld [tilespmem:s24+$0x130]  }
0x5d: {  	v8 =	vld [tilespmem:s24+$0x140]  }
0x5e: {  	v12 =	vadd.f32 v13, v6;
	v7 =	vld [tilespmem:s24+$0x150]  }
0x5f: {  	s25 =	sadd.s32 $0x200, s25;
	v11 =	vadd.f32 v14, v11;
	v6 =	vld [tilespmem:s24+$0x160]  }
0x60: {  	v12 =	vmax.f32 v12, $0.0e+00;
	v5 =	vadd.f32 v5, v10;
	v63 =	vld [tilespmem:s24+$0x170]  }
0x61: {  	[tilespmem:s24+$0x100] =	vst v12;
	v11 =	vmax.f32 v11, $0.0e+00;
	v4 =	vadd.f32 v4, v9  }
0x62: {  	[tilespmem:s24+$0x110] =	vst v11;
	v5 =	vmax.f32 v5, $0.0e+00;
	v3 =	vadd.f32 v3, v8  }
0x63: {  	[tilespmem:s24+$0x120] =	vst v5;
	v4 =	vmax.f32 v4, $0.0e+00;
	v2 =	vadd.f32 v2, v7  }
0x64: {  	[tilespmem:s24+$0x130] =	vst v4;
	v3 =	vmax.f32 v3, $0.0e+00;
	v1 =	vadd.f32 v1, v6  }
0x65: {  	[tilespmem:s24+$0x140] =	vst v3;
	v2 =	vmax.f32 v2, $0.0e+00;
	v0 =	vadd.f32 v0, v63  }
0x66: {  	[tilespmem:s24+$0x150] =	vst v2;
	v1 =	vmax.f32 v1, $0.0e+00  }
0x67: {  	[tilespmem:s24+$0x160] =	vst v1;
	v0 =	vmax.f32 v0, $0.0e+00  }
.Ltmp6:
0x68: {  	[tilespmem:s24+$0x170] =	vst v0;
	(pc) =	sbr.rel .LBB2_6-.Ltmp6, $4  }
0x69: {  	[spmem:s2] =	stream.indirect.scatter.add.f32 [tilespmem:s21], [sflag:$0x2], $0x80, s19, s19, $0xb8;
	[tilespmem:$0x1B980] =	vst v63  }
0x6a: {  	_ =	swait.ge [sflag:s16], $0x4000  }
0x6b: {  	[sflag:s16] =	ssyncset.done $0x0  }
0x6c: {  	[sflag:s16] =	ssyncadd.s32 $0xFFFFC000  }
.LBB2_8:
0x6d: {  	_ =	sfence.sel $0x180000  }
0x6e: {  	[bflag:$0x0] =	sbarrier.arrive $0xFFFF  }
0x6f: {  	p0 =	sne.s32 s5, $0x0;
	_ =	strace $0x90000047  }
0x70: {  	s0 =	sadd.s32 @!p0 $0x100000, s0;
	[bflag:$0x2] =	sbarrier.arrive $0xFFFF  }
0x71: {  	[sflag:s0] =	ssyncadd.tile.s32 @!p0 $0x1;
	_ =	shalt  }
.Lfunc_end2:
_tile_overlayer_lowered:
.L_overlay_start_2:
0x72: {  	(tag) =	ssettag $0x2  }
0x73: {  	s0 =	rddreg [dreg:$0x0];
	s2 =	stileid.u32  }
0x74: {  	s1 =	rddreg [dreg:$0x1];
	p0 =	sne.s32 s2, $0x0  }
0x75: {  	s3 =	rddreg [dreg:$0x2];
	[bflag:$0x3] =	sbarrier.arrive $0xFFFF;
	s2 =	simm.s32 @!p0 $0x1C02  }
0x76: {  	[timem:s3], [sflag:s2] =	dma.local @!p0 [hbm:s0], s1  }
0x77: {  	s0 =	simm.s32 @!p0 $0x2  }
0x78: {  	_ =	swait.ge @!p0 [sflag:s0], s1  }
0x79: {  	s1 =	ssub.s32 @!p0 $0x0, s1;
	[sflag:s0] =	ssyncset.done @!p0 $0x0  }
0x7a: {  	[sflag:s0] =	ssyncadd.s32 @!p0 s1  }
0x7b: {  	[bflag:$0x3] =	sbarrier.arrive $0xFFFF  }
0x7c: {  	_ =	shalt  }

</sc_bundles>
